<compile_context>
chip_gen: v7x
topology: tpu7x:2x2x1
jax: 0.10.2.dev20260603
libtpu: 0.0.44.dev20260713+nightly
codegen_flags: <defaults>
</compile_context>

<pallas_src>
import functools

import jax
import jax.numpy as jnp
from jax import lax
from jax.experimental import pallas as pl
from jax.experimental.pallas import tpu as pltpu
from jax.experimental.pallas import tpu_sc as plsc

N = 10000
E = 320000
D = 128
OUT = 64
KSTEPS = 10
ALPHA = 0.1

NC = 2
NS = 16
NW = NC * NS
CHUNK = 48
NBUF = 7
DCH = 128
DNCH = -(-(E // NW) // DCH)
DPT_PAD = DNCH * DCH
EPT = E // NW
NCHUNK = -(-EPT // CHUNK)
EPT_PAD = NCHUNK * CHUNK
NPAD = 10240
RPT = NPAD // NS

_mesh = plsc.VectorSubcoreMesh(core_axis_name="c", subcore_axis_name="s")



@functools.partial(
    pl.kernel,
    out_type=jax.ShapeDtypeStruct((NC, NPAD), jnp.float32),
    mesh=_mesh,
    scratch_types=[
        pltpu.VMEM_SHARED((NPAD,), jnp.float32),
        pltpu.VMEM((2, DCH), jnp.int32),
        pltpu.VMEM((DCH,), jnp.float32),
        pltpu.SemaphoreType.DMA((2,)),
        pltpu.SemaphoreType.DMA((2,)),
    ],
)
def _deg_sc(dstp_hbm, ones_hbm, zeros1_hbm, deg_out, deg_sp, dring, ones_v,
            dsem, ssem):
    cid = lax.axis_index("c")
    sid = lax.axis_index("s")
    w = cid * NS + sid
    r0 = sid * RPT
    pltpu.sync_copy(zeros1_hbm.at[pl.ds(r0, RPT)], deg_sp.at[pl.ds(r0, RPT)])
    pltpu.sync_copy(ones_hbm, ones_v)
    plsc.subcore_barrier()

    pltpu.async_copy(dstp_hbm.at[w, 0], dring.at[0], dsem.at[0])

    def body(j, _):
        p = lax.rem(j, 2)
        q = lax.rem(j + 1, 2)

        @pl.when(j + 1 < DNCH)
        def _prefetch():
            @pl.when(j >= 1)
            def _drain():
                pltpu.make_async_copy(ones_v, deg_sp.at[dring.at[q]],
                                      ssem.at[q]).wait()

            pltpu.async_copy(dstp_hbm.at[w, j + 1], dring.at[q], dsem.at[q])

        pltpu.make_async_copy(dstp_hbm.at[w, j], dring.at[p],
                              dsem.at[p]).wait()
        pltpu.async_copy(ones_v, deg_sp.at[dring.at[p]], ssem.at[p],
                         add=True)
        return _

    lax.fori_loop(0, DNCH, body, None)
    for b in range(2):
        jj = (DNCH - 2 + b) % 2
        pltpu.make_async_copy(ones_v, deg_sp.at[dring.at[jj]],
                              ssem.at[jj]).wait()
    plsc.subcore_barrier()
    pltpu.sync_copy(deg_sp.at[pl.ds(r0, RPT)], deg_out.at[cid, pl.ds(r0, RPT)])


@functools.partial(
    pl.kernel,
    out_type=jax.ShapeDtypeStruct((NC, NPAD, D), jnp.float32),
    mesh=_mesh,
    scratch_types=[
        pltpu.VMEM_SHARED((NPAD, D), jnp.float32),
        pltpu.VMEM((NBUF + 1, CHUNK), jnp.int32),
        pltpu.VMEM((NBUF, CHUNK), jnp.int32),
        pltpu.VMEM((NBUF, CHUNK, D), jnp.float32),
        pltpu.SemaphoreType.DMA((NBUF + 1,)),
        pltpu.SemaphoreType.DMA((NBUF,)),
        pltpu.SemaphoreType.DMA((NBUF,)),
        pltpu.SemaphoreType.DMA((NBUF,)),
    ],
)
def _round_sc(u_hbm, srcp_hbm, dstp_hbm, c2_hbm, s_out,
              s_sp, sring, dbuf, gbuf, isem, gsem, dsem, ssem):
    cid = lax.axis_index("c")
    sid = lax.axis_index("s")
    w = cid * NS + sid
    r0 = sid * RPT

    @pl.when(cid == 0)
    def _seed0():
        pltpu.sync_copy(u_hbm.at[pl.ds(r0, RPT)], s_sp.at[pl.ds(r0, RPT)])

    @pl.when(cid != 0)
    def _seed1():
        pltpu.sync_copy(c2_hbm.at[pl.ds(r0, RPT)], s_sp.at[pl.ds(r0, RPT)])

    plsc.subcore_barrier()

    for b in range(NBUF):
        pltpu.async_copy(srcp_hbm.at[w, b], sring.at[b], isem.at[b])
    for b in range(NBUF - 1):
        pltpu.async_copy(dstp_hbm.at[w, b], dbuf.at[b], dsem.at[b])
        pltpu.make_async_copy(srcp_hbm.at[w, b], sring.at[b],
                              isem.at[b]).wait()
        pltpu.async_copy(u_hbm.at[sring.at[b]], gbuf.at[b], gsem.at[b])

    def body(j, _):
        p = lax.rem(j, NBUF)
        f = j + NBUF - 1

        @pl.when(f < NCHUNK)
        def _prefetch():
            q = lax.rem(f, NBUF)
            fs = lax.rem(f, NBUF + 1)

            @pl.when(j >= 1)
            def _drain():
                pltpu.make_async_copy(gbuf.at[q], s_sp.at[dbuf.at[q]],
                                      ssem.at[q]).wait()

            pltpu.async_copy(dstp_hbm.at[w, f], dbuf.at[q], dsem.at[q])

            @pl.when(f + 1 < NCHUNK)
            def _nexti():
                fs1 = lax.rem(f + 1, NBUF + 1)
                pltpu.async_copy(srcp_hbm.at[w, f + 1], sring.at[fs1],
                                 isem.at[fs1])

            pltpu.make_async_copy(srcp_hbm.at[w, f], sring.at[fs],
                                  isem.at[fs]).wait()
            pltpu.async_copy(u_hbm.at[sring.at[fs]], gbuf.at[q], gsem.at[q])

        pltpu.make_async_copy(u_hbm.at[sring.at[lax.rem(j, NBUF + 1)]],
                              gbuf.at[p], gsem.at[p]).wait()
        pltpu.make_async_copy(dstp_hbm.at[w, j], dbuf.at[p],
                              dsem.at[p]).wait()
        pltpu.async_copy(gbuf.at[p], s_sp.at[dbuf.at[p]], ssem.at[p],
                         add=True)
        return _

    lax.fori_loop(0, NCHUNK, body, None)
    for b in range(NBUF):
        jj = (NCHUNK - NBUF + b) % NBUF
        pltpu.make_async_copy(gbuf.at[jj], s_sp.at[dbuf.at[jj]],
                              ssem.at[jj]).wait()
    plsc.subcore_barrier()
    pltpu.sync_copy(s_sp.at[pl.ds(r0, RPT)], s_out.at[cid, pl.ds(r0, RPT)])



def _lrelu(v):
    return jnp.where(v > 0, v, 0.01 * v)


def _mlp_body(x_ref, w1, b1, w2, b2, w3, b3, o_ref):
    t = _lrelu(jnp.dot(x_ref[...], w1[...],
                       preferred_element_type=jnp.float32) + b1[...])
    t = _lrelu(jnp.dot(t, w2[...],
                       preferred_element_type=jnp.float32) + b2[...])
    t = _lrelu(jnp.dot(t, w3[...],
                       preferred_element_type=jnp.float32) + b3[...])
    o_ref[...] = t


def _prep_body(degp_ref, h_ref, u0_ref, c2_ref, d2s_ref, sq_ref):
    deg = degp_ref[0, :] + degp_ref[1, :] + 1.0
    dis = lax.rsqrt(deg)
    h = h_ref[...]
    c2_ref[...] = (ALPHA / (1.0 - ALPHA)) * (deg * dis)[:, None] * h
    u0_ref[...] = dis[:, None] * h
    d2s_ref[...] = (1.0 - ALPHA) / deg
    sq_ref[...] = jnp.sqrt(deg)


def _update_body(s_ref, d2s_ref, o_ref):
    o_ref[...] = d2s_ref[...][:, None] * (s_ref[0] + s_ref[1])


def _final_body(u_ref, sq_ref, wo, bo, o_ref):
    z = u_ref[...] * sq_ref[...][:, None]
    o_ref[...] = jnp.dot(z, wo[...],
                         preferred_element_type=jnp.float32) + bo[...]


def _full(shape):
    return pl.BlockSpec(shape, lambda i: tuple(0 for _ in shape))



def kernel(x, edge_index, W1, b1, W2, b2, W3, b3, Wout, bout):
    f32 = jnp.float32
    x_pad = jnp.pad(x, ((0, NPAD - N), (0, 0)))
    src = jnp.pad(edge_index[0], (0, NW * EPT_PAD - E)).reshape(NW, NCHUNK, CHUNK)
    dst = jnp.pad(edge_index[1], (0, NW * EPT_PAD - E),
                  constant_values=NPAD - 1).reshape(NW, NCHUNK, CHUNK)
    dst2 = jnp.pad(edge_index[1], (0, NW * DPT_PAD - E),
                   constant_values=NPAD - 1).reshape(NW, DNCH, DCH)
    zeros1 = jnp.zeros((NPAD,), f32)
    ones = jnp.ones((DCH,), f32)

    grid = 10
    blk = NPAD // grid

    h_pad = pl.pallas_call(
        _mlp_body,
        grid=(grid,),
        in_specs=[
            pl.BlockSpec((blk, D), lambda i: (i, 0)),
            _full((D, D)), _full((D,)), _full((D, D)), _full((D,)),
            _full((D, D)), _full((D,)),
        ],
        out_specs=pl.BlockSpec((blk, D), lambda i: (i, 0)),
        out_shape=jax.ShapeDtypeStruct((NPAD, D), f32),
    )(x_pad, W1, b1, W2, b2, W3, b3)

    deg_parts = _deg_sc(dst2, ones, zeros1)

    u0, c2, d2s, sq = pl.pallas_call(
        _prep_body,
        grid=(grid,),
        in_specs=[
            pl.BlockSpec((NC, blk), lambda i: (0, i)),
            pl.BlockSpec((blk, D), lambda i: (i, 0)),
        ],
        out_specs=[
            pl.BlockSpec((blk, D), lambda i: (i, 0)),
            pl.BlockSpec((blk, D), lambda i: (i, 0)),
            pl.BlockSpec((blk,), lambda i: (i,)),
            pl.BlockSpec((blk,), lambda i: (i,)),
        ],
        out_shape=[
            jax.ShapeDtypeStruct((NPAD, D), f32),
            jax.ShapeDtypeStruct((NPAD, D), f32),
            jax.ShapeDtypeStruct((NPAD,), f32),
            jax.ShapeDtypeStruct((NPAD,), f32),
        ],
    )(deg_parts, h_pad)

    update = pl.pallas_call(
        _update_body,
        grid=(grid,),
        in_specs=[
            pl.BlockSpec((NC, blk, D), lambda i: (0, i, 0)),
            pl.BlockSpec((blk,), lambda i: (i,)),
        ],
        out_specs=pl.BlockSpec((blk, D), lambda i: (i, 0)),
        out_shape=jax.ShapeDtypeStruct((NPAD, D), f32),
    )

    def round_step(_, u):
        s_parts = _round_sc(u, src, dst, c2)
        return update(s_parts, d2s)

    u = lax.fori_loop(0, KSTEPS, round_step, u0)

    out_pad = pl.pallas_call(
        _final_body,
        grid=(grid,),
        in_specs=[
            pl.BlockSpec((blk, D), lambda i: (i, 0)),
            pl.BlockSpec((blk,), lambda i: (i,)),
            _full((D, OUT)), _full((OUT,)),
        ],
        out_specs=pl.BlockSpec((blk, OUT), lambda i: (i, 0)),
        out_shape=jax.ShapeDtypeStruct((NPAD, OUT), f32),
    )(u, sq, Wout, bout)
    return out_pad[:N]

# --- scband reference (transcript-rebuilt; emitter-appended) ---
"""Pipeline reference for scband-appnps-86268713108264 (READ-ONLY COPY).

The authoritative reference and input builder live on the scoring server;
editing this copy changes nothing except your own understanding.
"""

import jax, jax.numpy as jnp
import numpy as np

N = 10000
E = 320000
D = 128
H = 128
O = 64
K = 10
ALPHA = 0.1


def setup_inputs(seed: int = 0) -> dict:
    key = jax.random.key(seed)
    ks = jax.random.split(key, 12)
    x = jax.random.normal(ks[0], (N, D), dtype=jnp.float32)
    edge_index = jax.random.randint(ks[1], (2, E), 0, N, dtype=jnp.int32)
    s = 0.05
    W1 = jax.random.normal(ks[2], (D, H), dtype=jnp.float32) * s
    b1 = jnp.zeros((H,), dtype=jnp.float32)
    W2 = jax.random.normal(ks[3], (H, H), dtype=jnp.float32) * s
    b2 = jnp.zeros((H,), dtype=jnp.float32)
    W3 = jax.random.normal(ks[4], (H, H), dtype=jnp.float32) * s
    b3 = jnp.zeros((H,), dtype=jnp.float32)
    Wout = jax.random.normal(ks[5], (H, O), dtype=jnp.float32) * s
    bout = jnp.zeros((O,), dtype=jnp.float32)
    return {"x": x, "edge_index": edge_index, "W1": W1, "b1": b1, "W2": W2, "b2": b2, "W3": W3, "b3": b3, "Wout": Wout, "bout": bout}


def reference(x, edge_index, W1, b1, W2, b2, W3, b3, Wout, bout):
    # MLP (eval mode: dropout is identity), LeakyReLU default slope 0.01
    h = jax.nn.leaky_relu(x @ W1 + b1, negative_slope=0.01)
    h = jax.nn.leaky_relu(h @ W2 + b2, negative_slope=0.01)
    h = jax.nn.leaky_relu(h @ W3 + b3, negative_slope=0.01)

    # APPNP propagation with GCN normalization (add self-loops, symmetric norm)
    loop = jnp.arange(N, dtype=edge_index.dtype)
    src = jnp.concatenate([edge_index[0], loop])
    dst = jnp.concatenate([edge_index[1], loop])
    ew = jnp.ones(src.shape[0], dtype=jnp.float32)
    deg = jax.ops.segment_sum(ew, dst, num_segments=N)
    deg_inv_sqrt = jnp.where(deg > 0, 1.0 / jnp.sqrt(deg), 0.0)
    norm = deg_inv_sqrt[src] * ew * deg_inv_sqrt[dst]

    z = h
    for _ in range(K):
        msg = norm[:, None] * z[src]
        agg = jax.ops.segment_sum(msg, dst, num_segments=N)
        z = (1.0 - ALPHA) * agg + ALPHA * h

    out = z @ Wout + bout
    return out

if __name__ == "__main__":
    import jax
    _d = setup_inputs()
    print(jax.jit(kernel)(*tuple(_d.values())))

</pallas_src>

<mosaic_0001>
#map = affine_map<(d0, d1) -> (0, 0)>
#map1 = affine_map<(d0, d1) -> (0, 0, 0)>
module attributes {stable_mosaic.version = 14 : i64} {
  func.func @_round_sc(%arg0: i32, %arg1: i32, %arg2: memref<10240x128xf32, #tpu.memory_space<hbm>>, %arg3: memref<32x209x48xi32, #tpu.memory_space<hbm>>, %arg4: memref<32x209x48xi32, #tpu.memory_space<hbm>>, %arg5: memref<10240x128xf32, #tpu.memory_space<hbm>>, %arg6: memref<2x10240x128xf32, #tpu.memory_space<hbm>>, %arg7: memref<10240x128xf32, #tpu.memory_space<vmem_shared>>, %arg8: memref<8x48xi32, #tpu.memory_space<vmem>>, %arg9: memref<7x48xi32, #tpu.memory_space<vmem>>, %arg10: memref<7x48x128xf32, #tpu.memory_space<vmem>>, %arg11: memref<8x!tpu.dma_semaphore, #tpu.memory_space<semaphore_mem>>, %arg12: memref<7x!tpu.dma_semaphore, #tpu.memory_space<semaphore_mem>>, %arg13: memref<7x!tpu.dma_semaphore, #tpu.memory_space<semaphore_mem>>, %arg14: memref<7x!tpu.dma_semaphore, #tpu.memory_space<semaphore_mem>>) attributes {dimension_semantics = [#tpu.dimension_semantics<core_parallel>, #tpu.dimension_semantics<subcore_parallel>], iteration_bounds = array<i64: 2, 16>, scalar_prefetch = 0 : i64, scratch_operands = 8 : i64, tpu.core_type = #tpu.core_type<sc_vector_subcore>, window_params = [{transform_indices = #map}, {transform_indices = #map1}, {transform_indices = #map1}, {transform_indices = #map}, {transform_indices = #map1}]} {
    %mul3A = arith.constant 16 : i32
    %mul3A_0 = arith.muli %arg0, %mul3A : i32
    %add3A = arith.addi %mul3A_0, %arg1 : i32
    %mul3A_1 = arith.constant 640 : i32
    %mul3A_2 = arith.muli %arg1, %mul3A_1 : i32
    %eq3A = arith.constant 0 : i32
    %eq3A_3 = arith.cmpi eq, %arg0, %eq3A : i32
    %convert_element_type3A = arith.extui %eq3A_3 : i1 to i32
    %cond3A = arith.constant 0 : i32
    %cond3A_4 = arith.cmpi ne, %convert_element_type3A, %cond3A : i32
    scf.if %cond3A_4 {
      "tpu.region"() ({
        %run_scoped3A = tpu.sem_alloc : memref<!tpu.dma_semaphore, #tpu.memory_space<semaphore_mem>>
        %dma_start3A_530 = arith.constant 0 : i32
        %dma_start3A_531 = tpu.memref_slice %arg7[%mul3A_2, %dma_start3A_530] : memref<10240x128xf32, #tpu.memory_space<vmem_shared>> -> memref<640x128xf32, #tpu.memory_space<vmem_shared>>
        %dma_start3A_532 = arith.constant 0 : i32
        %dma_start3A_533 = tpu.memref_slice %arg2[%mul3A_2, %dma_start3A_532] : memref<10240x128xf32, #tpu.memory_space<hbm>> -> memref<640x128xf32, #tpu.memory_space<hbm>>
        tpu.enqueue_dma source(%dma_start3A_533 : memref<640x128xf32, #tpu.memory_space<hbm>>) target(%dma_start3A_531 : memref<640x128xf32, #tpu.memory_space<vmem_shared>>) target_semaphore(%run_scoped3A : memref<!tpu.dma_semaphore, #tpu.memory_space<semaphore_mem>>)
        %dma_wait3A_534 = arith.constant 0 : i32
        %dma_wait3A_535 = tpu.memref_slice %arg7[%mul3A_2, %dma_wait3A_534] : memref<10240x128xf32, #tpu.memory_space<vmem_shared>> -> memref<640x128xf32, #tpu.memory_space<vmem_shared>>
        %dma_wait3A_536 = arith.constant 0 : i32
        %dma_wait3A_537 = tpu.memref_slice %arg2[%mul3A_2, %dma_wait3A_536] : memref<10240x128xf32, #tpu.memory_space<hbm>> -> memref<640x128xf32, #tpu.memory_space<hbm>>
        tpu.wait_dma2 semaphore(%run_scoped3A : memref<!tpu.dma_semaphore, #tpu.memory_space<semaphore_mem>>) src(%dma_wait3A_537 : memref<640x128xf32, #tpu.memory_space<hbm>>) dst(%dma_wait3A_535 : memref<640x128xf32, #tpu.memory_space<vmem_shared>>)
        tpu.yield
      }) : () -> ()
    } else {
    }
    %ne3A = arith.constant 0 : i32
    %ne3A_5 = arith.cmpi ne, %arg0, %ne3A : i32
    %convert_element_type3A_6 = arith.extui %ne3A_5 : i1 to i32
    %cond3A_7 = arith.constant 0 : i32
    %cond3A_8 = arith.cmpi ne, %convert_element_type3A_6, %cond3A_7 : i32
    scf.if %cond3A_8 {
      "tpu.region"() ({
        %run_scoped3A = tpu.sem_alloc : memref<!tpu.dma_semaphore, #tpu.memory_space<semaphore_mem>>
        %dma_start3A_530 = arith.constant 0 : i32
        %dma_start3A_531 = tpu.memref_slice %arg7[%mul3A_2, %dma_start3A_530] : memref<10240x128xf32, #tpu.memory_space<vmem_shared>> -> memref<640x128xf32, #tpu.memory_space<vmem_shared>>
        %dma_start3A_532 = arith.constant 0 : i32
        %dma_start3A_533 = tpu.memref_slice %arg5[%mul3A_2, %dma_start3A_532] : memref<10240x128xf32, #tpu.memory_space<hbm>> -> memref<640x128xf32, #tpu.memory_space<hbm>>
        tpu.enqueue_dma source(%dma_start3A_533 : memref<640x128xf32, #tpu.memory_space<hbm>>) target(%dma_start3A_531 : memref<640x128xf32, #tpu.memory_space<vmem_shared>>) target_semaphore(%run_scoped3A : memref<!tpu.dma_semaphore, #tpu.memory_space<semaphore_mem>>)
        %dma_wait3A_534 = arith.constant 0 : i32
        %dma_wait3A_535 = tpu.memref_slice %arg7[%mul3A_2, %dma_wait3A_534] : memref<10240x128xf32, #tpu.memory_space<vmem_shared>> -> memref<640x128xf32, #tpu.memory_space<vmem_shared>>
        %dma_wait3A_536 = arith.constant 0 : i32
        %dma_wait3A_537 = tpu.memref_slice %arg5[%mul3A_2, %dma_wait3A_536] : memref<10240x128xf32, #tpu.memory_space<hbm>> -> memref<640x128xf32, #tpu.memory_space<hbm>>
        tpu.wait_dma2 semaphore(%run_scoped3A : memref<!tpu.dma_semaphore, #tpu.memory_space<semaphore_mem>>) src(%dma_wait3A_537 : memref<640x128xf32, #tpu.memory_space<hbm>>) dst(%dma_wait3A_535 : memref<640x128xf32, #tpu.memory_space<vmem_shared>>)
        tpu.yield
      }) : () -> ()
    } else {
    }
    %barrier3A = arith.constant 0 : index
    tpu.barrier barrier_id(%barrier3A)
    %dma_start3A = arith.constant 0 : i32
    %dma_start3A_9 = arith.constant 0 : i32
    %dma_start3A_10 = arith.constant 0 : i32
    %dma_start3A_11 = arith.constant 0 : i32
    %dma_start3A_12 = tpu.memref_slice %arg8[%dma_start3A_9, %dma_start3A_11] : memref<8x48xi32, #tpu.memory_space<vmem>> -> memref<1x48xi32, #tpu.memory_space<vmem>>
    %dma_start3A_13 = tpu.memref_squeeze %dma_start3A_12 : memref<1x48xi32, #tpu.memory_space<vmem>> -> memref<48xi32, #tpu.memory_space<vmem>>
    %dma_start3A_14 = arith.constant 0 : i32
    %dma_start3A_15 = tpu.memref_slice %arg3[%add3A, %dma_start3A, %dma_start3A_14] : memref<32x209x48xi32, #tpu.memory_space<hbm>> -> memref<1x1x48xi32, #tpu.memory_space<hbm>>
    %dma_start3A_16 = tpu.memref_squeeze %dma_start3A_15 : memref<1x1x48xi32, #tpu.memory_space<hbm>> -> memref<48xi32, #tpu.memory_space<hbm>>
    %dma_start3A_17 = tpu.memref_slice %arg11[%dma_start3A_10] : memref<8x!tpu.dma_semaphore, #tpu.memory_space<semaphore_mem>> -> memref<1x!tpu.dma_semaphore, #tpu.memory_space<semaphore_mem>>
    %dma_start3A_18 = tpu.memref_squeeze %dma_start3A_17 : memref<1x!tpu.dma_semaphore, #tpu.memory_space<semaphore_mem>> -> memref<!tpu.dma_semaphore, #tpu.memory_space<semaphore_mem>>
    %dma_start3A_19 = arith.constant 0 : i32
    %dma_start3A_20 = tpu.memref_slice %arg8[%dma_start3A_9, %dma_start3A_19] : memref<8x48xi32, #tpu.memory_space<vmem>> -> memref<1x48xi32, #tpu.memory_space<vmem>>
    %dma_start3A_21 = tpu.memref_squeeze %dma_start3A_20 : memref<1x48xi32, #tpu.memory_space<vmem>> -> memref<48xi32, #tpu.memory_space<vmem>>
    %dma_start3A_22 = arith.constant 0 : i32
    %dma_start3A_23 = tpu.memref_slice %arg3[%add3A, %dma_start3A, %dma_start3A_22] : memref<32x209x48xi32, #tpu.memory_space<hbm>> -> memref<1x1x48xi32, #tpu.memory_space<hbm>>
    %dma_start3A_24 = tpu.memref_squeeze %dma_start3A_23 : memref<1x1x48xi32, #tpu.memory_space<hbm>> -> memref<48xi32, #tpu.memory_space<hbm>>
    tpu.enqueue_dma source(%dma_start3A_24 : memref<48xi32, #tpu.memory_space<hbm>>) target(%dma_start3A_21 : memref<48xi32, #tpu.memory_space<vmem>>) target_semaphore(%dma_start3A_18 : memref<!tpu.dma_semaphore, #tpu.memory_space<semaphore_mem>>)
    %dma_start3A_25 = arith.constant 1 : i32
    %dma_start3A_26 = arith.constant 1 : i32
    %dma_start3A_27 = arith.constant 1 : i32
    %dma_start3A_28 = arith.constant 0 : i32
    %dma_start3A_29 = tpu.memref_slice %arg8[%dma_start3A_26, %dma_start3A_28] : memref<8x48xi32, #tpu.memory_space<vmem>> -> memref<1x48xi32, #tpu.memory_space<vmem>>
    %dma_start3A_30 = tpu.memref_squeeze %dma_start3A_29 : memref<1x48xi32, #tpu.memory_space<vmem>> -> memref<48xi32, #tpu.memory_space<vmem>>
    %dma_start3A_31 = arith.constant 0 : i32
    %dma_start3A_32 = tpu.memref_slice %arg3[%add3A, %dma_start3A_25, %dma_start3A_31] : memref<32x209x48xi32, #tpu.memory_space<hbm>> -> memref<1x1x48xi32, #tpu.memory_space<hbm>>
    %dma_start3A_33 = tpu.memref_squeeze %dma_start3A_32 : memref<1x1x48xi32, #tpu.memory_space<hbm>> -> memref<48xi32, #tpu.memory_space<hbm>>
    %dma_start3A_34 = tpu.memref_slice %arg11[%dma_start3A_27] : memref<8x!tpu.dma_semaphore, #tpu.memory_space<semaphore_mem>> -> memref<1x!tpu.dma_semaphore, #tpu.memory_space<semaphore_mem>>
    %dma_start3A_35 = tpu.memref_squeeze %dma_start3A_34 : memref<1x!tpu.dma_semaphore, #tpu.memory_space<semaphore_mem>> -> memref<!tpu.dma_semaphore, #tpu.memory_space<semaphore_mem>>
    %dma_start3A_36 = arith.constant 0 : i32
    %dma_start3A_37 = tpu.memref_slice %arg8[%dma_start3A_26, %dma_start3A_36] : memref<8x48xi32, #tpu.memory_space<vmem>> -> memref<1x48xi32, #tpu.memory_space<vmem>>
    %dma_start3A_38 = tpu.memref_squeeze %dma_start3A_37 : memref<1x48xi32, #tpu.memory_space<vmem>> -> memref<48xi32, #tpu.memory_space<vmem>>
    %dma_start3A_39 = arith.constant 0 : i32
    %dma_start3A_40 = tpu.memref_slice %arg3[%add3A, %dma_start3A_25, %dma_start3A_39] : memref<32x209x48xi32, #tpu.memory_space<hbm>> -> memref<1x1x48xi32, #tpu.memory_space<hbm>>
    %dma_start3A_41 = tpu.memref_squeeze %dma_start3A_40 : memref<1x1x48xi32, #tpu.memory_space<hbm>> -> memref<48xi32, #tpu.memory_space<hbm>>
    tpu.enqueue_dma source(%dma_start3A_41 : memref<48xi32, #tpu.memory_space<hbm>>) target(%dma_start3A_38 : memref<48xi32, #tpu.memory_space<vmem>>) target_semaphore(%dma_start3A_35 : memref<!tpu.dma_semaphore, #tpu.memory_space<semaphore_mem>>)
    %dma_start3A_42 = arith.constant 2 : i32
    %dma_start3A_43 = arith.constant 2 : i32
    %dma_start3A_44 = arith.constant 2 : i32
    %dma_start3A_45 = arith.constant 0 : i32
    %dma_start3A_46 = tpu.memref_slice %arg8[%dma_start3A_43, %dma_start3A_45] : memref<8x48xi32, #tpu.memory_space<vmem>> -> memref<1x48xi32, #tpu.memory_space<vmem>>
    %dma_start3A_47 = tpu.memref_squeeze %dma_start3A_46 : memref<1x48xi32, #tpu.memory_space<vmem>> -> memref<48xi32, #tpu.memory_space<vmem>>
    %dma_start3A_48 = arith.constant 0 : i32
    %dma_start3A_49 = tpu.memref_slice %arg3[%add3A, %dma_start3A_42, %dma_start3A_48] : memref<32x209x48xi32, #tpu.memory_space<hbm>> -> memref<1x1x48xi32, #tpu.memory_space<hbm>>
    %dma_start3A_50 = tpu.memref_squeeze %dma_start3A_49 : memref<1x1x48xi32, #tpu.memory_space<hbm>> -> memref<48xi32, #tpu.memory_space<hbm>>
    %dma_start3A_51 = tpu.memref_slice %arg11[%dma_start3A_44] : memref<8x!tpu.dma_semaphore, #tpu.memory_space<semaphore_mem>> -> memref<1x!tpu.dma_semaphore, #tpu.memory_space<semaphore_mem>>
    %dma_start3A_52 = tpu.memref_squeeze %dma_start3A_51 : memref<1x!tpu.dma_semaphore, #tpu.memory_space<semaphore_mem>> -> memref<!tpu.dma_semaphore, #tpu.memory_space<semaphore_mem>>
    %dma_start3A_53 = arith.constant 0 : i32
    %dma_start3A_54 = tpu.memref_slice %arg8[%dma_start3A_43, %dma_start3A_53] : memref<8x48xi32, #tpu.memory_space<vmem>> -> memref<1x48xi32, #tpu.memory_space<vmem>>
    %dma_start3A_55 = tpu.memref_squeeze %dma_start3A_54 : memref<1x48xi32, #tpu.memory_space<vmem>> -> memref<48xi32, #tpu.memory_space<vmem>>
    %dma_start3A_56 = arith.constant 0 : i32
    %dma_start3A_57 = tpu.memref_slice %arg3[%add3A, %dma_start3A_42, %dma_start3A_56] : memref<32x209x48xi32, #tpu.memory_space<hbm>> -> memref<1x1x48xi32, #tpu.memory_space<hbm>>
    %dma_start3A_58 = tpu.memref_squeeze %dma_start3A_57 : memref<1x1x48xi32, #tpu.memory_space<hbm>> -> memref<48xi32, #tpu.memory_space<hbm>>
    tpu.enqueue_dma source(%dma_start3A_58 : memref<48xi32, #tpu.memory_space<hbm>>) target(%dma_start3A_55 : memref<48xi32, #tpu.memory_space<vmem>>) target_semaphore(%dma_start3A_52 : memref<!tpu.dma_semaphore, #tpu.memory_space<semaphore_mem>>)
    %dma_start3A_59 = arith.constant 3 : i32
    %dma_start3A_60 = arith.constant 3 : i32
    %dma_start3A_61 = arith.constant 3 : i32
    %dma_start3A_62 = arith.constant 0 : i32
    %dma_start3A_63 = tpu.memref_slice %arg8[%dma_start3A_60, %dma_start3A_62] : memref<8x48xi32, #tpu.memory_space<vmem>> -> memref<1x48xi32, #tpu.memory_space<vmem>>
    %dma_start3A_64 = tpu.memref_squeeze %dma_start3A_63 : memref<1x48xi32, #tpu.memory_space<vmem>> -> memref<48xi32, #tpu.memory_space<vmem>>
    %dma_start3A_65 = arith.constant 0 : i32
    %dma_start3A_66 = tpu.memref_slice %arg3[%add3A, %dma_start3A_59, %dma_start3A_65] : memref<32x209x48xi32, #tpu.memory_space<hbm>> -> memref<1x1x48xi32, #tpu.memory_space<hbm>>
    %dma_start3A_67 = tpu.memref_squeeze %dma_start3A_66 : memref<1x1x48xi32, #tpu.memory_space<hbm>> -> memref<48xi32, #tpu.memory_space<hbm>>
    %dma_start3A_68 = tpu.memref_slice %arg11[%dma_start3A_61] : memref<8x!tpu.dma_semaphore, #tpu.memory_space<semaphore_mem>> -> memref<1x!tpu.dma_semaphore, #tpu.memory_space<semaphore_mem>>
    %dma_start3A_69 = tpu.memref_squeeze %dma_start3A_68 : memref<1x!tpu.dma_semaphore, #tpu.memory_space<semaphore_mem>> -> memref<!tpu.dma_semaphore, #tpu.memory_space<semaphore_mem>>
    %dma_start3A_70 = arith.constant 0 : i32
    %dma_start3A_71 = tpu.memref_slice %arg8[%dma_start3A_60, %dma_start3A_70] : memref<8x48xi32, #tpu.memory_space<vmem>> -> memref<1x48xi32, #tpu.memory_space<vmem>>
    %dma_start3A_72 = tpu.memref_squeeze %dma_start3A_71 : memref<1x48xi32, #tpu.memory_space<vmem>> -> memref<48xi32, #tpu.memory_space<vmem>>
    %dma_start3A_73 = arith.constant 0 : i32
    %dma_start3A_74 = tpu.memref_slice %arg3[%add3A, %dma_start3A_59, %dma_start3A_73] : memref<32x209x48xi32, #tpu.memory_space<hbm>> -> memref<1x1x48xi32, #tpu.memory_space<hbm>>
    %dma_start3A_75 = tpu.memref_squeeze %dma_start3A_74 : memref<1x1x48xi32, #tpu.memory_space<hbm>> -> memref<48xi32, #tpu.memory_space<hbm>>
    tpu.enqueue_dma source(%dma_start3A_75 : memref<48xi32, #tpu.memory_space<hbm>>) target(%dma_start3A_72 : memref<48xi32, #tpu.memory_space<vmem>>) target_semaphore(%dma_start3A_69 : memref<!tpu.dma_semaphore, #tpu.memory_space<semaphore_mem>>)
    %dma_start3A_76 = arith.constant 4 : i32
    %dma_start3A_77 = arith.constant 4 : i32
    %dma_start3A_78 = arith.constant 4 : i32
    %dma_start3A_79 = arith.constant 0 : i32
    %dma_start3A_80 = tpu.memref_slice %arg8[%dma_start3A_77, %dma_start3A_79] : memref<8x48xi32, #tpu.memory_space<vmem>> -> memref<1x48xi32, #tpu.memory_space<vmem>>
    %dma_start3A_81 = tpu.memref_squeeze %dma_start3A_80 : memref<1x48xi32, #tpu.memory_space<vmem>> -> memref<48xi32, #tpu.memory_space<vmem>>
    %dma_start3A_82 = arith.constant 0 : i32
    %dma_start3A_83 = tpu.memref_slice %arg3[%add3A, %dma_start3A_76, %dma_start3A_82] : memref<32x209x48xi32, #tpu.memory_space<hbm>> -> memref<1x1x48xi32, #tpu.memory_space<hbm>>
    %dma_start3A_84 = tpu.memref_squeeze %dma_start3A_83 : memref<1x1x48xi32, #tpu.memory_space<hbm>> -> memref<48xi32, #tpu.memory_space<hbm>>
    %dma_start3A_85 = tpu.memref_slice %arg11[%dma_start3A_78] : memref<8x!tpu.dma_semaphore, #tpu.memory_space<semaphore_mem>> -> memref<1x!tpu.dma_semaphore, #tpu.memory_space<semaphore_mem>>
    %dma_start3A_86 = tpu.memref_squeeze %dma_start3A_85 : memref<1x!tpu.dma_semaphore, #tpu.memory_space<semaphore_mem>> -> memref<!tpu.dma_semaphore, #tpu.memory_space<semaphore_mem>>
    %dma_start3A_87 = arith.constant 0 : i32
    %dma_start3A_88 = tpu.memref_slice %arg8[%dma_start3A_77, %dma_start3A_87] : memref<8x48xi32, #tpu.memory_space<vmem>> -> memref<1x48xi32, #tpu.memory_space<vmem>>
    %dma_start3A_89 = tpu.memref_squeeze %dma_start3A_88 : memref<1x48xi32, #tpu.memory_space<vmem>> -> memref<48xi32, #tpu.memory_space<vmem>>
    %dma_start3A_90 = arith.constant 0 : i32
    %dma_start3A_91 = tpu.memref_slice %arg3[%add3A, %dma_start3A_76, %dma_start3A_90] : memref<32x209x48xi32, #tpu.memory_space<hbm>> -> memref<1x1x48xi32, #tpu.memory_space<hbm>>
    %dma_start3A_92 = tpu.memref_squeeze %dma_start3A_91 : memref<1x1x48xi32, #tpu.memory_space<hbm>> -> memref<48xi32, #tpu.memory_space<hbm>>
    tpu.enqueue_dma source(%dma_start3A_92 : memref<48xi32, #tpu.memory_space<hbm>>) target(%dma_start3A_89 : memref<48xi32, #tpu.memory_space<vmem>>) target_semaphore(%dma_start3A_86 : memref<!tpu.dma_semaphore, #tpu.memory_space<semaphore_mem>>)
    %dma_start3A_93 = arith.constant 5 : i32
    %dma_start3A_94 = arith.constant 5 : i32
    %dma_start3A_95 = arith.constant 5 : i32
    %dma_start3A_96 = arith.constant 0 : i32
    %dma_start3A_97 = tpu.memref_slice %arg8[%dma_start3A_94, %dma_start3A_96] : memref<8x48xi32, #tpu.memory_space<vmem>> -> memref<1x48xi32, #tpu.memory_space<vmem>>
    %dma_start3A_98 = tpu.memref_squeeze %dma_start3A_97 : memref<1x48xi32, #tpu.memory_space<vmem>> -> memref<48xi32, #tpu.memory_space<vmem>>
    %dma_start3A_99 = arith.constant 0 : i32
    %dma_start3A_100 = tpu.memref_slice %arg3[%add3A, %dma_start3A_93, %dma_start3A_99] : memref<32x209x48xi32, #tpu.memory_space<hbm>> -> memref<1x1x48xi32, #tpu.memory_space<hbm>>
    %dma_start3A_101 = tpu.memref_squeeze %dma_start3A_100 : memref<1x1x48xi32, #tpu.memory_space<hbm>> -> memref<48xi32, #tpu.memory_space<hbm>>
    %dma_start3A_102 = tpu.memref_slice %arg11[%dma_start3A_95] : memref<8x!tpu.dma_semaphore, #tpu.memory_space<semaphore_mem>> -> memref<1x!tpu.dma_semaphore, #tpu.memory_space<semaphore_mem>>
    %dma_start3A_103 = tpu.memref_squeeze %dma_start3A_102 : memref<1x!tpu.dma_semaphore, #tpu.memory_space<semaphore_mem>> -> memref<!tpu.dma_semaphore, #tpu.memory_space<semaphore_mem>>
    %dma_start3A_104 = arith.constant 0 : i32
    %dma_start3A_105 = tpu.memref_slice %arg8[%dma_start3A_94, %dma_start3A_104] : memref<8x48xi32, #tpu.memory_space<vmem>> -> memref<1x48xi32, #tpu.memory_space<vmem>>
    %dma_start3A_106 = tpu.memref_squeeze %dma_start3A_105 : memref<1x48xi32, #tpu.memory_space<vmem>> -> memref<48xi32, #tpu.memory_space<vmem>>
    %dma_start3A_107 = arith.constant 0 : i32
    %dma_start3A_108 = tpu.memref_slice %arg3[%add3A, %dma_start3A_93, %dma_start3A_107] : memref<32x209x48xi32, #tpu.memory_space<hbm>> -> memref<1x1x48xi32, #tpu.memory_space<hbm>>
    %dma_start3A_109 = tpu.memref_squeeze %dma_start3A_108 : memref<1x1x48xi32, #tpu.memory_space<hbm>> -> memref<48xi32, #tpu.memory_space<hbm>>
    tpu.enqueue_dma source(%dma_start3A_109 : memref<48xi32, #tpu.memory_space<hbm>>) target(%dma_start3A_106 : memref<48xi32, #tpu.memory_space<vmem>>) target_semaphore(%dma_start3A_103 : memref<!tpu.dma_semaphore, #tpu.memory_space<semaphore_mem>>)
    %dma_start3A_110 = arith.constant 6 : i32
    %dma_start3A_111 = arith.constant 6 : i32
    %dma_start3A_112 = arith.constant 6 : i32
    %dma_start3A_113 = arith.constant 0 : i32
    %dma_start3A_114 = tpu.memref_slice %arg8[%dma_start3A_111, %dma_start3A_113] : memref<8x48xi32, #tpu.memory_space<vmem>> -> memref<1x48xi32, #tpu.memory_space<vmem>>
    %dma_start3A_115 = tpu.memref_squeeze %dma_start3A_114 : memref<1x48xi32, #tpu.memory_space<vmem>> -> memref<48xi32, #tpu.memory_space<vmem>>
    %dma_start3A_116 = arith.constant 0 : i32
    %dma_start3A_117 = tpu.memref_slice %arg3[%add3A, %dma_start3A_110, %dma_start3A_116] : memref<32x209x48xi32, #tpu.memory_space<hbm>> -> memref<1x1x48xi32, #tpu.memory_space<hbm>>
    %dma_start3A_118 = tpu.memref_squeeze %dma_start3A_117 : memref<1x1x48xi32, #tpu.memory_space<hbm>> -> memref<48xi32, #tpu.memory_space<hbm>>
    %dma_start3A_119 = tpu.memref_slice %arg11[%dma_start3A_112] : memref<8x!tpu.dma_semaphore, #tpu.memory_space<semaphore_mem>> -> memref<1x!tpu.dma_semaphore, #tpu.memory_space<semaphore_mem>>
    %dma_start3A_120 = tpu.memref_squeeze %dma_start3A_119 : memref<1x!tpu.dma_semaphore, #tpu.memory_space<semaphore_mem>> -> memref<!tpu.dma_semaphore, #tpu.memory_space<semaphore_mem>>
    %dma_start3A_121 = arith.constant 0 : i32
    %dma_start3A_122 = tpu.memref_slice %arg8[%dma_start3A_111, %dma_start3A_121] : memref<8x48xi32, #tpu.memory_space<vmem>> -> memref<1x48xi32, #tpu.memory_space<vmem>>
    %dma_start3A_123 = tpu.memref_squeeze %dma_start3A_122 : memref<1x48xi32, #tpu.memory_space<vmem>> -> memref<48xi32, #tpu.memory_space<vmem>>
    %dma_start3A_124 = arith.constant 0 : i32
    %dma_start3A_125 = tpu.memref_slice %arg3[%add3A, %dma_start3A_110, %dma_start3A_124] : memref<32x209x48xi32, #tpu.memory_space<hbm>> -> memref<1x1x48xi32, #tpu.memory_space<hbm>>
    %dma_start3A_126 = tpu.memref_squeeze %dma_start3A_125 : memref<1x1x48xi32, #tpu.memory_space<hbm>> -> memref<48xi32, #tpu.memory_space<hbm>>
    tpu.enqueue_dma source(%dma_start3A_126 : memref<48xi32, #tpu.memory_space<hbm>>) target(%dma_start3A_123 : memref<48xi32, #tpu.memory_space<vmem>>) target_semaphore(%dma_start3A_120 : memref<!tpu.dma_semaphore, #tpu.memory_space<semaphore_mem>>)
    %dma_start3A_127 = arith.constant 0 : i32
    %dma_start3A_128 = arith.constant 0 : i32
    %dma_start3A_129 = arith.constant 0 : i32
    %dma_start3A_130 = arith.constant 0 : i32
    %dma_start3A_131 = tpu.memref_slice %arg9[%dma_start3A_128, %dma_start3A_130] : memref<7x48xi32, #tpu.memory_space<vmem>> -> memref<1x48xi32, #tpu.memory_space<vmem>>
    %dma_start3A_132 = tpu.memref_squeeze %dma_start3A_131 : memref<1x48xi32, #tpu.memory_space<vmem>> -> memref<48xi32, #tpu.memory_space<vmem>>
    %dma_start3A_133 = arith.constant 0 : i32
    %dma_start3A_134 = tpu.memref_slice %arg4[%add3A, %dma_start3A_127, %dma_start3A_133] : memref<32x209x48xi32, #tpu.memory_space<hbm>> -> memref<1x1x48xi32, #tpu.memory_space<hbm>>
    %dma_start3A_135 = tpu.memref_squeeze %dma_start3A_134 : memref<1x1x48xi32, #tpu.memory_space<hbm>> -> memref<48xi32, #tpu.memory_space<hbm>>
    %dma_start3A_136 = tpu.memref_slice %arg13[%dma_start3A_129] : memref<7x!tpu.dma_semaphore, #tpu.memory_space<semaphore_mem>> -> memref<1x!tpu.dma_semaphore, #tpu.memory_space<semaphore_mem>>
    %dma_start3A_137 = tpu.memref_squeeze %dma_start3A_136 : memref<1x!tpu.dma_semaphore, #tpu.memory_space<semaphore_mem>> -> memref<!tpu.dma_semaphore, #tpu.memory_space<semaphore_mem>>
    %dma_start3A_138 = arith.constant 0 : i32
    %dma_start3A_139 = tpu.memref_slice %arg9[%dma_start3A_128, %dma_start3A_138] : memref<7x48xi32, #tpu.memory_space<vmem>> -> memref<1x48xi32, #tpu.memory_space<vmem>>
    %dma_start3A_140 = tpu.memref_squeeze %dma_start3A_139 : memref<1x48xi32, #tpu.memory_space<vmem>> -> memref<48xi32, #tpu.memory_space<vmem>>
    %dma_start3A_141 = arith.constant 0 : i32
    %dma_start3A_142 = tpu.memref_slice %arg4[%add3A, %dma_start3A_127, %dma_start3A_141] : memref<32x209x48xi32, #tpu.memory_space<hbm>> -> memref<1x1x48xi32, #tpu.memory_space<hbm>>
    %dma_start3A_143 = tpu.memref_squeeze %dma_start3A_142 : memref<1x1x48xi32, #tpu.memory_space<hbm>> -> memref<48xi32, #tpu.memory_space<hbm>>
    tpu.enqueue_dma source(%dma_start3A_143 : memref<48xi32, #tpu.memory_space<hbm>>) target(%dma_start3A_140 : memref<48xi32, #tpu.memory_space<vmem>>) target_semaphore(%dma_start3A_137 : memref<!tpu.dma_semaphore, #tpu.memory_space<semaphore_mem>>)
    %dma_wait3A = arith.constant 0 : i32
    %dma_wait3A_144 = arith.constant 0 : i32
    %dma_wait3A_145 = arith.constant 0 : i32
    %dma_wait3A_146 = arith.constant 0 : i32
    %dma_wait3A_147 = tpu.memref_slice %arg8[%dma_wait3A_144, %dma_wait3A_146] : memref<8x48xi32, #tpu.memory_space<vmem>> -> memref<1x48xi32, #tpu.memory_space<vmem>>
    %dma_wait3A_148 = tpu.memref_squeeze %dma_wait3A_147 : memref<1x48xi32, #tpu.memory_space<vmem>> -> memref<48xi32, #tpu.memory_space<vmem>>
    %dma_wait3A_149 = arith.constant 0 : i32
    %dma_wait3A_150 = tpu.memref_slice %arg3[%add3A, %dma_wait3A, %dma_wait3A_149] : memref<32x209x48xi32, #tpu.memory_space<hbm>> -> memref<1x1x48xi32, #tpu.memory_space<hbm>>
    %dma_wait3A_151 = tpu.memref_squeeze %dma_wait3A_150 : memref<1x1x48xi32, #tpu.memory_space<hbm>> -> memref<48xi32, #tpu.memory_space<hbm>>
    %dma_wait3A_152 = tpu.memref_slice %arg11[%dma_wait3A_145] : memref<8x!tpu.dma_semaphore, #tpu.memory_space<semaphore_mem>> -> memref<1x!tpu.dma_semaphore, #tpu.memory_space<semaphore_mem>>
    %dma_wait3A_153 = tpu.memref_squeeze %dma_wait3A_152 : memref<1x!tpu.dma_semaphore, #tpu.memory_space<semaphore_mem>> -> memref<!tpu.dma_semaphore, #tpu.memory_space<semaphore_mem>>
    %dma_wait3A_154 = arith.constant 0 : i32
    %dma_wait3A_155 = tpu.memref_slice %arg8[%dma_wait3A_144, %dma_wait3A_154] : memref<8x48xi32, #tpu.memory_space<vmem>> -> memref<1x48xi32, #tpu.memory_space<vmem>>
    %dma_wait3A_156 = tpu.memref_squeeze %dma_wait3A_155 : memref<1x48xi32, #tpu.memory_space<vmem>> -> memref<48xi32, #tpu.memory_space<vmem>>
    %dma_wait3A_157 = arith.constant 0 : i32
    %dma_wait3A_158 = tpu.memref_slice %arg3[%add3A, %dma_wait3A, %dma_wait3A_157] : memref<32x209x48xi32, #tpu.memory_space<hbm>> -> memref<1x1x48xi32, #tpu.memory_space<hbm>>
    %dma_wait3A_159 = tpu.memref_squeeze %dma_wait3A_158 : memref<1x1x48xi32, #tpu.memory_space<hbm>> -> memref<48xi32, #tpu.memory_space<hbm>>
    tpu.wait_dma2 semaphore(%dma_wait3A_153 : memref<!tpu.dma_semaphore, #tpu.memory_space<semaphore_mem>>) src(%dma_wait3A_159 : memref<48xi32, #tpu.memory_space<hbm>>) dst(%dma_wait3A_156 : memref<48xi32, #tpu.memory_space<vmem>>)
    %dma_start3A_160 = arith.constant 0 : i32
    %dma_start3A_161 = arith.constant 0 : i32
    %dma_start3A_162 = arith.constant 0 : i32
    %dma_start3A_163 = arith.constant 0 : i32
    %dma_start3A_164 = arith.constant 0 : i32
    %dma_start3A_165 = tpu.memref_slice %arg10[%dma_start3A_161, %dma_start3A_163, %dma_start3A_164] : memref<7x48x128xf32, #tpu.memory_space<vmem>> -> memref<1x48x128xf32, #tpu.memory_space<vmem>>
    %dma_start3A_166 = tpu.memref_squeeze %dma_start3A_165 : memref<1x48x128xf32, #tpu.memory_space<vmem>> -> memref<48x128xf32, #tpu.memory_space<vmem>>
    %dma_start3A_167 = arith.constant 0 : i32
    %dma_start3A_168 = tpu.memref_slice %arg8[%dma_start3A_160, %dma_start3A_167] : memref<8x48xi32, #tpu.memory_space<vmem>> -> memref<1x48xi32, #tpu.memory_space<vmem>>
    %dma_start3A_169 = tpu.memref_squeeze %dma_start3A_168 : memref<1x48xi32, #tpu.memory_space<vmem>> -> memref<48xi32, #tpu.memory_space<vmem>>
    %dma_start3A_170 = arith.constant 0 : i32
    %dma_start3A_171 = arith.constant 0 : i32
    %dma_start3A_172 = tpu.memref_slice %arg2[%dma_start3A_170, %dma_start3A_171] : memref<10240x128xf32, #tpu.memory_space<hbm>> -> memref<10240x128xf32, #tpu.memory_space<hbm>>
    %dma_start3A_173 = tpu.memref_slice %arg12[%dma_start3A_162] : memref<7x!tpu.dma_semaphore, #tpu.memory_space<semaphore_mem>> -> memref<1x!tpu.dma_semaphore, #tpu.memory_space<semaphore_mem>>
    %dma_start3A_174 = tpu.memref_squeeze %dma_start3A_173 : memref<1x!tpu.dma_semaphore, #tpu.memory_space<semaphore_mem>> -> memref<!tpu.dma_semaphore, #tpu.memory_space<semaphore_mem>>
    tpu.enqueue_indirect_dma source(%dma_start3A_172 : memref<10240x128xf32, #tpu.memory_space<hbm>>) target(%dma_start3A_166 : memref<48x128xf32, #tpu.memory_space<vmem>>) offsets(%dma_start3A_169 : memref<48xi32, #tpu.memory_space<vmem>>) semaphore(%dma_start3A_174 : memref<!tpu.dma_semaphore, #tpu.memory_space<semaphore_mem>>)
    %dma_start3A_175 = arith.constant 1 : i32
    %dma_start3A_176 = arith.constant 1 : i32
    %dma_start3A_177 = arith.constant 1 : i32
    %dma_start3A_178 = arith.constant 0 : i32
    %dma_start3A_179 = tpu.memref_slice %arg9[%dma_start3A_176, %dma_start3A_178] : memref<7x48xi32, #tpu.memory_space<vmem>> -> memref<1x48xi32, #tpu.memory_space<vmem>>
    %dma_start3A_180 = tpu.memref_squeeze %dma_start3A_179 : memref<1x48xi32, #tpu.memory_space<vmem>> -> memref<48xi32, #tpu.memory_space<vmem>>
    %dma_start3A_181 = arith.constant 0 : i32
    %dma_start3A_182 = tpu.memref_slice %arg4[%add3A, %dma_start3A_175, %dma_start3A_181] : memref<32x209x48xi32, #tpu.memory_space<hbm>> -> memref<1x1x48xi32, #tpu.memory_space<hbm>>
    %dma_start3A_183 = tpu.memref_squeeze %dma_start3A_182 : memref<1x1x48xi32, #tpu.memory_space<hbm>> -> memref<48xi32, #tpu.memory_space<hbm>>
    %dma_start3A_184 = tpu.memref_slice %arg13[%dma_start3A_177] : memref<7x!tpu.dma_semaphore, #tpu.memory_space<semaphore_mem>> -> memref<1x!tpu.dma_semaphore, #tpu.memory_space<semaphore_mem>>
    %dma_start3A_185 = tpu.memref_squeeze %dma_start3A_184 : memref<1x!tpu.dma_semaphore, #tpu.memory_space<semaphore_mem>> -> memref<!tpu.dma_semaphore, #tpu.memory_space<semaphore_mem>>
    %dma_start3A_186 = arith.constant 0 : i32
    %dma_start3A_187 = tpu.memref_slice %arg9[%dma_start3A_176, %dma_start3A_186] : memref<7x48xi32, #tpu.memory_space<vmem>> -> memref<1x48xi32, #tpu.memory_space<vmem>>
    %dma_start3A_188 = tpu.memref_squeeze %dma_start3A_187 : memref<1x48xi32, #tpu.memory_space<vmem>> -> memref<48xi32, #tpu.memory_space<vmem>>
    %dma_start3A_189 = arith.constant 0 : i32
    %dma_start3A_190 = tpu.memref_slice %arg4[%add3A, %dma_start3A_175, %dma_start3A_189] : memref<32x209x48xi32, #tpu.memory_space<hbm>> -> memref<1x1x48xi32, #tpu.memory_space<hbm>>
    %dma_start3A_191 = tpu.memref_squeeze %dma_start3A_190 : memref<1x1x48xi32, #tpu.memory_space<hbm>> -> memref<48xi32, #tpu.memory_space<hbm>>
    tpu.enqueue_dma source(%dma_start3A_191 : memref<48xi32, #tpu.memory_space<hbm>>) target(%dma_start3A_188 : memref<48xi32, #tpu.memory_space<vmem>>) target_semaphore(%dma_start3A_185 : memref<!tpu.dma_semaphore, #tpu.memory_space<semaphore_mem>>)
    %dma_wait3A_192 = arith.constant 1 : i32
    %dma_wait3A_193 = arith.constant 1 : i32
    %dma_wait3A_194 = arith.constant 1 : i32
    %dma_wait3A_195 = arith.constant 0 : i32
    %dma_wait3A_196 = tpu.memref_slice %arg8[%dma_wait3A_193, %dma_wait3A_195] : memref<8x48xi32, #tpu.memory_space<vmem>> -> memref<1x48xi32, #tpu.memory_space<vmem>>
    %dma_wait3A_197 = tpu.memref_squeeze %dma_wait3A_196 : memref<1x48xi32, #tpu.memory_space<vmem>> -> memref<48xi32, #tpu.memory_space<vmem>>
    %dma_wait3A_198 = arith.constant 0 : i32
    %dma_wait3A_199 = tpu.memref_slice %arg3[%add3A, %dma_wait3A_192, %dma_wait3A_198] : memref<32x209x48xi32, #tpu.memory_space<hbm>> -> memref<1x1x48xi32, #tpu.memory_space<hbm>>
    %dma_wait3A_200 = tpu.memref_squeeze %dma_wait3A_199 : memref<1x1x48xi32, #tpu.memory_space<hbm>> -> memref<48xi32, #tpu.memory_space<hbm>>
    %dma_wait3A_201 = tpu.memref_slice %arg11[%dma_wait3A_194] : memref<8x!tpu.dma_semaphore, #tpu.memory_space<semaphore_mem>> -> memref<1x!tpu.dma_semaphore, #tpu.memory_space<semaphore_mem>>
    %dma_wait3A_202 = tpu.memref_squeeze %dma_wait3A_201 : memref<1x!tpu.dma_semaphore, #tpu.memory_space<semaphore_mem>> -> memref<!tpu.dma_semaphore, #tpu.memory_space<semaphore_mem>>
    %dma_wait3A_203 = arith.constant 0 : i32
    %dma_wait3A_204 = tpu.memref_slice %arg8[%dma_wait3A_193, %dma_wait3A_203] : memref<8x48xi32, #tpu.memory_space<vmem>> -> memref<1x48xi32, #tpu.memory_space<vmem>>
    %dma_wait3A_205 = tpu.memref_squeeze %dma_wait3A_204 : memref<1x48xi32, #tpu.memory_space<vmem>> -> memref<48xi32, #tpu.memory_space<vmem>>
    %dma_wait3A_206 = arith.constant 0 : i32
    %dma_wait3A_207 = tpu.memref_slice %arg3[%add3A, %dma_wait3A_192, %dma_wait3A_206] : memref<32x209x48xi32, #tpu.memory_space<hbm>> -> memref<1x1x48xi32, #tpu.memory_space<hbm>>
    %dma_wait3A_208 = tpu.memref_squeeze %dma_wait3A_207 : memref<1x1x48xi32, #tpu.memory_space<hbm>> -> memref<48xi32, #tpu.memory_space<hbm>>
    tpu.wait_dma2 semaphore(%dma_wait3A_202 : memref<!tpu.dma_semaphore, #tpu.memory_space<semaphore_mem>>) src(%dma_wait3A_208 : memref<48xi32, #tpu.memory_space<hbm>>) dst(%dma_wait3A_205 : memref<48xi32, #tpu.memory_space<vmem>>)
    %dma_start3A_209 = arith.constant 1 : i32
    %dma_start3A_210 = arith.constant 1 : i32
    %dma_start3A_211 = arith.constant 1 : i32
    %dma_start3A_212 = arith.constant 0 : i32
    %dma_start3A_213 = arith.constant 0 : i32
    %dma_start3A_214 = tpu.memref_slice %arg10[%dma_start3A_210, %dma_start3A_212, %dma_start3A_213] : memref<7x48x128xf32, #tpu.memory_space<vmem>> -> memref<1x48x128xf32, #tpu.memory_space<vmem>>
    %dma_start3A_215 = tpu.memref_squeeze %dma_start3A_214 : memref<1x48x128xf32, #tpu.memory_space<vmem>> -> memref<48x128xf32, #tpu.memory_space<vmem>>
    %dma_start3A_216 = arith.constant 0 : i32
    %dma_start3A_217 = tpu.memref_slice %arg8[%dma_start3A_209, %dma_start3A_216] : memref<8x48xi32, #tpu.memory_space<vmem>> -> memref<1x48xi32, #tpu.memory_space<vmem>>
    %dma_start3A_218 = tpu.memref_squeeze %dma_start3A_217 : memref<1x48xi32, #tpu.memory_space<vmem>> -> memref<48xi32, #tpu.memory_space<vmem>>
    %dma_start3A_219 = arith.constant 0 : i32
    %dma_start3A_220 = arith.constant 0 : i32
    %dma_start3A_221 = tpu.memref_slice %arg2[%dma_start3A_219, %dma_start3A_220] : memref<10240x128xf32, #tpu.memory_space<hbm>> -> memref<10240x128xf32, #tpu.memory_space<hbm>>
    %dma_start3A_222 = tpu.memref_slice %arg12[%dma_start3A_211] : memref<7x!tpu.dma_semaphore, #tpu.memory_space<semaphore_mem>> -> memref<1x!tpu.dma_semaphore, #tpu.memory_space<semaphore_mem>>
    %dma_start3A_223 = tpu.memref_squeeze %dma_start3A_222 : memref<1x!tpu.dma_semaphore, #tpu.memory_space<semaphore_mem>> -> memref<!tpu.dma_semaphore, #tpu.memory_space<semaphore_mem>>
    tpu.enqueue_indirect_dma source(%dma_start3A_221 : memref<10240x128xf32, #tpu.memory_space<hbm>>) target(%dma_start3A_215 : memref<48x128xf32, #tpu.memory_space<vmem>>) offsets(%dma_start3A_218 : memref<48xi32, #tpu.memory_space<vmem>>) semaphore(%dma_start3A_223 : memref<!tpu.dma_semaphore, #tpu.memory_space<semaphore_mem>>)
    %dma_start3A_224 = arith.constant 2 : i32
    %dma_start3A_225 = arith.constant 2 : i32
    %dma_start3A_226 = arith.constant 2 : i32
    %dma_start3A_227 = arith.constant 0 : i32
    %dma_start3A_228 = tpu.memref_slice %arg9[%dma_start3A_225, %dma_start3A_227] : memref<7x48xi32, #tpu.memory_space<vmem>> -> memref<1x48xi32, #tpu.memory_space<vmem>>
    %dma_start3A_229 = tpu.memref_squeeze %dma_start3A_228 : memref<1x48xi32, #tpu.memory_space<vmem>> -> memref<48xi32, #tpu.memory_space<vmem>>
    %dma_start3A_230 = arith.constant 0 : i32
    %dma_start3A_231 = tpu.memref_slice %arg4[%add3A, %dma_start3A_224, %dma_start3A_230] : memref<32x209x48xi32, #tpu.memory_space<hbm>> -> memref<1x1x48xi32, #tpu.memory_space<hbm>>
    %dma_start3A_232 = tpu.memref_squeeze %dma_start3A_231 : memref<1x1x48xi32, #tpu.memory_space<hbm>> -> memref<48xi32, #tpu.memory_space<hbm>>
    %dma_start3A_233 = tpu.memref_slice %arg13[%dma_start3A_226] : memref<7x!tpu.dma_semaphore, #tpu.memory_space<semaphore_mem>> -> memref<1x!tpu.dma_semaphore, #tpu.memory_space<semaphore_mem>>
    %dma_start3A_234 = tpu.memref_squeeze %dma_start3A_233 : memref<1x!tpu.dma_semaphore, #tpu.memory_space<semaphore_mem>> -> memref<!tpu.dma_semaphore, #tpu.memory_space<semaphore_mem>>
    %dma_start3A_235 = arith.constant 0 : i32
    %dma_start3A_236 = tpu.memref_slice %arg9[%dma_start3A_225, %dma_start3A_235] : memref<7x48xi32, #tpu.memory_space<vmem>> -> memref<1x48xi32, #tpu.memory_space<vmem>>
    %dma_start3A_237 = tpu.memref_squeeze %dma_start3A_236 : memref<1x48xi32, #tpu.memory_space<vmem>> -> memref<48xi32, #tpu.memory_space<vmem>>
    %dma_start3A_238 = arith.constant 0 : i32
    %dma_start3A_239 = tpu.memref_slice %arg4[%add3A, %dma_start3A_224, %dma_start3A_238] : memref<32x209x48xi32, #tpu.memory_space<hbm>> -> memref<1x1x48xi32, #tpu.memory_space<hbm>>
    %dma_start3A_240 = tpu.memref_squeeze %dma_start3A_239 : memref<1x1x48xi32, #tpu.memory_space<hbm>> -> memref<48xi32, #tpu.memory_space<hbm>>
    tpu.enqueue_dma source(%dma_start3A_240 : memref<48xi32, #tpu.memory_space<hbm>>) target(%dma_start3A_237 : memref<48xi32, #tpu.memory_space<vmem>>) target_semaphore(%dma_start3A_234 : memref<!tpu.dma_semaphore, #tpu.memory_space<semaphore_mem>>)
    %dma_wait3A_241 = arith.constant 2 : i32
    %dma_wait3A_242 = arith.constant 2 : i32
    %dma_wait3A_243 = arith.constant 2 : i32
    %dma_wait3A_244 = arith.constant 0 : i32
    %dma_wait3A_245 = tpu.memref_slice %arg8[%dma_wait3A_242, %dma_wait3A_244] : memref<8x48xi32, #tpu.memory_space<vmem>> -> memref<1x48xi32, #tpu.memory_space<vmem>>
    %dma_wait3A_246 = tpu.memref_squeeze %dma_wait3A_245 : memref<1x48xi32, #tpu.memory_space<vmem>> -> memref<48xi32, #tpu.memory_space<vmem>>
    %dma_wait3A_247 = arith.constant 0 : i32
    %dma_wait3A_248 = tpu.memref_slice %arg3[%add3A, %dma_wait3A_241, %dma_wait3A_247] : memref<32x209x48xi32, #tpu.memory_space<hbm>> -> memref<1x1x48xi32, #tpu.memory_space<hbm>>
    %dma_wait3A_249 = tpu.memref_squeeze %dma_wait3A_248 : memref<1x1x48xi32, #tpu.memory_space<hbm>> -> memref<48xi32, #tpu.memory_space<hbm>>
    %dma_wait3A_250 = tpu.memref_slice %arg11[%dma_wait3A_243] : memref<8x!tpu.dma_semaphore, #tpu.memory_space<semaphore_mem>> -> memref<1x!tpu.dma_semaphore, #tpu.memory_space<semaphore_mem>>
    %dma_wait3A_251 = tpu.memref_squeeze %dma_wait3A_250 : memref<1x!tpu.dma_semaphore, #tpu.memory_space<semaphore_mem>> -> memref<!tpu.dma_semaphore, #tpu.memory_space<semaphore_mem>>
    %dma_wait3A_252 = arith.constant 0 : i32
    %dma_wait3A_253 = tpu.memref_slice %arg8[%dma_wait3A_242, %dma_wait3A_252] : memref<8x48xi32, #tpu.memory_space<vmem>> -> memref<1x48xi32, #tpu.memory_space<vmem>>
    %dma_wait3A_254 = tpu.memref_squeeze %dma_wait3A_253 : memref<1x48xi32, #tpu.memory_space<vmem>> -> memref<48xi32, #tpu.memory_space<vmem>>
    %dma_wait3A_255 = arith.constant 0 : i32
    %dma_wait3A_256 = tpu.memref_slice %arg3[%add3A, %dma_wait3A_241, %dma_wait3A_255] : memref<32x209x48xi32, #tpu.memory_space<hbm>> -> memref<1x1x48xi32, #tpu.memory_space<hbm>>
    %dma_wait3A_257 = tpu.memref_squeeze %dma_wait3A_256 : memref<1x1x48xi32, #tpu.memory_space<hbm>> -> memref<48xi32, #tpu.memory_space<hbm>>
    tpu.wait_dma2 semaphore(%dma_wait3A_251 : memref<!tpu.dma_semaphore, #tpu.memory_space<semaphore_mem>>) src(%dma_wait3A_257 : memref<48xi32, #tpu.memory_space<hbm>>) dst(%dma_wait3A_254 : memref<48xi32, #tpu.memory_space<vmem>>)
    %dma_start3A_258 = arith.constant 2 : i32
    %dma_start3A_259 = arith.constant 2 : i32
    %dma_start3A_260 = arith.constant 2 : i32
    %dma_start3A_261 = arith.constant 0 : i32
    %dma_start3A_262 = arith.constant 0 : i32
    %dma_start3A_263 = tpu.memref_slice %arg10[%dma_start3A_259, %dma_start3A_261, %dma_start3A_262] : memref<7x48x128xf32, #tpu.memory_space<vmem>> -> memref<1x48x128xf32, #tpu.memory_space<vmem>>
    %dma_start3A_264 = tpu.memref_squeeze %dma_start3A_263 : memref<1x48x128xf32, #tpu.memory_space<vmem>> -> memref<48x128xf32, #tpu.memory_space<vmem>>
    %dma_start3A_265 = arith.constant 0 : i32
    %dma_start3A_266 = tpu.memref_slice %arg8[%dma_start3A_258, %dma_start3A_265] : memref<8x48xi32, #tpu.memory_space<vmem>> -> memref<1x48xi32, #tpu.memory_space<vmem>>
    %dma_start3A_267 = tpu.memref_squeeze %dma_start3A_266 : memref<1x48xi32, #tpu.memory_space<vmem>> -> memref<48xi32, #tpu.memory_space<vmem>>
    %dma_start3A_268 = arith.constant 0 : i32
    %dma_start3A_269 = arith.constant 0 : i32
    %dma_start3A_270 = tpu.memref_slice %arg2[%dma_start3A_268, %dma_start3A_269] : memref<10240x128xf32, #tpu.memory_space<hbm>> -> memref<10240x128xf32, #tpu.memory_space<hbm>>
    %dma_start3A_271 = tpu.memref_slice %arg12[%dma_start3A_260] : memref<7x!tpu.dma_semaphore, #tpu.memory_space<semaphore_mem>> -> memref<1x!tpu.dma_semaphore, #tpu.memory_space<semaphore_mem>>
    %dma_start3A_272 = tpu.memref_squeeze %dma_start3A_271 : memref<1x!tpu.dma_semaphore, #tpu.memory_space<semaphore_mem>> -> memref<!tpu.dma_semaphore, #tpu.memory_space<semaphore_mem>>
    tpu.enqueue_indirect_dma source(%dma_start3A_270 : memref<10240x128xf32, #tpu.memory_space<hbm>>) target(%dma_start3A_264 : memref<48x128xf32, #tpu.memory_space<vmem>>) offsets(%dma_start3A_267 : memref<48xi32, #tpu.memory_space<vmem>>) semaphore(%dma_start3A_272 : memref<!tpu.dma_semaphore, #tpu.memory_space<semaphore_mem>>)
    %dma_start3A_273 = arith.constant 3 : i32
    %dma_start3A_274 = arith.constant 3 : i32
    %dma_start3A_275 = arith.constant 3 : i32
    %dma_start3A_276 = arith.constant 0 : i32
    %dma_start3A_277 = tpu.memref_slice %arg9[%dma_start3A_274, %dma_start3A_276] : memref<7x48xi32, #tpu.memory_space<vmem>> -> memref<1x48xi32, #tpu.memory_space<vmem>>
    %dma_start3A_278 = tpu.memref_squeeze %dma_start3A_277 : memref<1x48xi32, #tpu.memory_space<vmem>> -> memref<48xi32, #tpu.memory_space<vmem>>
    %dma_start3A_279 = arith.constant 0 : i32
    %dma_start3A_280 = tpu.memref_slice %arg4[%add3A, %dma_start3A_273, %dma_start3A_279] : memref<32x209x48xi32, #tpu.memory_space<hbm>> -> memref<1x1x48xi32, #tpu.memory_space<hbm>>
    %dma_start3A_281 = tpu.memref_squeeze %dma_start3A_280 : memref<1x1x48xi32, #tpu.memory_space<hbm>> -> memref<48xi32, #tpu.memory_space<hbm>>
    %dma_start3A_282 = tpu.memref_slice %arg13[%dma_start3A_275] : memref<7x!tpu.dma_semaphore, #tpu.memory_space<semaphore_mem>> -> memref<1x!tpu.dma_semaphore, #tpu.memory_space<semaphore_mem>>
    %dma_start3A_283 = tpu.memref_squeeze %dma_start3A_282 : memref<1x!tpu.dma_semaphore, #tpu.memory_space<semaphore_mem>> -> memref<!tpu.dma_semaphore, #tpu.memory_space<semaphore_mem>>
    %dma_start3A_284 = arith.constant 0 : i32
    %dma_start3A_285 = tpu.memref_slice %arg9[%dma_start3A_274, %dma_start3A_284] : memref<7x48xi32, #tpu.memory_space<vmem>> -> memref<1x48xi32, #tpu.memory_space<vmem>>
    %dma_start3A_286 = tpu.memref_squeeze %dma_start3A_285 : memref<1x48xi32, #tpu.memory_space<vmem>> -> memref<48xi32, #tpu.memory_space<vmem>>
    %dma_start3A_287 = arith.constant 0 : i32
    %dma_start3A_288 = tpu.memref_slice %arg4[%add3A, %dma_start3A_273, %dma_start3A_287] : memref<32x209x48xi32, #tpu.memory_space<hbm>> -> memref<1x1x48xi32, #tpu.memory_space<hbm>>
    %dma_start3A_289 = tpu.memref_squeeze %dma_start3A_288 : memref<1x1x48xi32, #tpu.memory_space<hbm>> -> memref<48xi32, #tpu.memory_space<hbm>>
    tpu.enqueue_dma source(%dma_start3A_289 : memref<48xi32, #tpu.memory_space<hbm>>) target(%dma_start3A_286 : memref<48xi32, #tpu.memory_space<vmem>>) target_semaphore(%dma_start3A_283 : memref<!tpu.dma_semaphore, #tpu.memory_space<semaphore_mem>>)
    %dma_wait3A_290 = arith.constant 3 : i32
    %dma_wait3A_291 = arith.constant 3 : i32
    %dma_wait3A_292 = arith.constant 3 : i32
    %dma_wait3A_293 = arith.constant 0 : i32
    %dma_wait3A_294 = tpu.memref_slice %arg8[%dma_wait3A_291, %dma_wait3A_293] : memref<8x48xi32, #tpu.memory_space<vmem>> -> memref<1x48xi32, #tpu.memory_space<vmem>>
    %dma_wait3A_295 = tpu.memref_squeeze %dma_wait3A_294 : memref<1x48xi32, #tpu.memory_space<vmem>> -> memref<48xi32, #tpu.memory_space<vmem>>
    %dma_wait3A_296 = arith.constant 0 : i32
    %dma_wait3A_297 = tpu.memref_slice %arg3[%add3A, %dma_wait3A_290, %dma_wait3A_296] : memref<32x209x48xi32, #tpu.memory_space<hbm>> -> memref<1x1x48xi32, #tpu.memory_space<hbm>>
    %dma_wait3A_298 = tpu.memref_squeeze %dma_wait3A_297 : memref<1x1x48xi32, #tpu.memory_space<hbm>> -> memref<48xi32, #tpu.memory_space<hbm>>
    %dma_wait3A_299 = tpu.memref_slice %arg11[%dma_wait3A_292] : memref<8x!tpu.dma_semaphore, #tpu.memory_space<semaphore_mem>> -> memref<1x!tpu.dma_semaphore, #tpu.memory_space<semaphore_mem>>
    %dma_wait3A_300 = tpu.memref_squeeze %dma_wait3A_299 : memref<1x!tpu.dma_semaphore, #tpu.memory_space<semaphore_mem>> -> memref<!tpu.dma_semaphore, #tpu.memory_space<semaphore_mem>>
    %dma_wait3A_301 = arith.constant 0 : i32
    %dma_wait3A_302 = tpu.memref_slice %arg8[%dma_wait3A_291, %dma_wait3A_301] : memref<8x48xi32, #tpu.memory_space<vmem>> -> memref<1x48xi32, #tpu.memory_space<vmem>>
    %dma_wait3A_303 = tpu.memref_squeeze %dma_wait3A_302 : memref<1x48xi32, #tpu.memory_space<vmem>> -> memref<48xi32, #tpu.memory_space<vmem>>
    %dma_wait3A_304 = arith.constant 0 : i32
    %dma_wait3A_305 = tpu.memref_slice %arg3[%add3A, %dma_wait3A_290, %dma_wait3A_304] : memref<32x209x48xi32, #tpu.memory_space<hbm>> -> memref<1x1x48xi32, #tpu.memory_space<hbm>>
    %dma_wait3A_306 = tpu.memref_squeeze %dma_wait3A_305 : memref<1x1x48xi32, #tpu.memory_space<hbm>> -> memref<48xi32, #tpu.memory_space<hbm>>
    tpu.wait_dma2 semaphore(%dma_wait3A_300 : memref<!tpu.dma_semaphore, #tpu.memory_space<semaphore_mem>>) src(%dma_wait3A_306 : memref<48xi32, #tpu.memory_space<hbm>>) dst(%dma_wait3A_303 : memref<48xi32, #tpu.memory_space<vmem>>)
    %dma_start3A_307 = arith.constant 3 : i32
    %dma_start3A_308 = arith.constant 3 : i32
    %dma_start3A_309 = arith.constant 3 : i32
    %dma_start3A_310 = arith.constant 0 : i32
    %dma_start3A_311 = arith.constant 0 : i32
    %dma_start3A_312 = tpu.memref_slice %arg10[%dma_start3A_308, %dma_start3A_310, %dma_start3A_311] : memref<7x48x128xf32, #tpu.memory_space<vmem>> -> memref<1x48x128xf32, #tpu.memory_space<vmem>>
    %dma_start3A_313 = tpu.memref_squeeze %dma_start3A_312 : memref<1x48x128xf32, #tpu.memory_space<vmem>> -> memref<48x128xf32, #tpu.memory_space<vmem>>
    %dma_start3A_314 = arith.constant 0 : i32
    %dma_start3A_315 = tpu.memref_slice %arg8[%dma_start3A_307, %dma_start3A_314] : memref<8x48xi32, #tpu.memory_space<vmem>> -> memref<1x48xi32, #tpu.memory_space<vmem>>
    %dma_start3A_316 = tpu.memref_squeeze %dma_start3A_315 : memref<1x48xi32, #tpu.memory_space<vmem>> -> memref<48xi32, #tpu.memory_space<vmem>>
    %dma_start3A_317 = arith.constant 0 : i32
    %dma_start3A_318 = arith.constant 0 : i32
    %dma_start3A_319 = tpu.memref_slice %arg2[%dma_start3A_317, %dma_start3A_318] : memref<10240x128xf32, #tpu.memory_space<hbm>> -> memref<10240x128xf32, #tpu.memory_space<hbm>>
    %dma_start3A_320 = tpu.memref_slice %arg12[%dma_start3A_309] : memref<7x!tpu.dma_semaphore, #tpu.memory_space<semaphore_mem>> -> memref<1x!tpu.dma_semaphore, #tpu.memory_space<semaphore_mem>>
    %dma_start3A_321 = tpu.memref_squeeze %dma_start3A_320 : memref<1x!tpu.dma_semaphore, #tpu.memory_space<semaphore_mem>> -> memref<!tpu.dma_semaphore, #tpu.memory_space<semaphore_mem>>
    tpu.enqueue_indirect_dma source(%dma_start3A_319 : memref<10240x128xf32, #tpu.memory_space<hbm>>) target(%dma_start3A_313 : memref<48x128xf32, #tpu.memory_space<vmem>>) offsets(%dma_start3A_316 : memref<48xi32, #tpu.memory_space<vmem>>) semaphore(%dma_start3A_321 : memref<!tpu.dma_semaphore, #tpu.memory_space<semaphore_mem>>)
    %dma_start3A_322 = arith.constant 4 : i32
    %dma_start3A_323 = arith.constant 4 : i32
    %dma_start3A_324 = arith.constant 4 : i32
    %dma_start3A_325 = arith.constant 0 : i32
    %dma_start3A_326 = tpu.memref_slice %arg9[%dma_start3A_323, %dma_start3A_325] : memref<7x48xi32, #tpu.memory_space<vmem>> -> memref<1x48xi32, #tpu.memory_space<vmem>>
    %dma_start3A_327 = tpu.memref_squeeze %dma_start3A_326 : memref<1x48xi32, #tpu.memory_space<vmem>> -> memref<48xi32, #tpu.memory_space<vmem>>
    %dma_start3A_328 = arith.constant 0 : i32
    %dma_start3A_329 = tpu.memref_slice %arg4[%add3A, %dma_start3A_322, %dma_start3A_328] : memref<32x209x48xi32, #tpu.memory_space<hbm>> -> memref<1x1x48xi32, #tpu.memory_space<hbm>>
    %dma_start3A_330 = tpu.memref_squeeze %dma_start3A_329 : memref<1x1x48xi32, #tpu.memory_space<hbm>> -> memref<48xi32, #tpu.memory_space<hbm>>
    %dma_start3A_331 = tpu.memref_slice %arg13[%dma_start3A_324] : memref<7x!tpu.dma_semaphore, #tpu.memory_space<semaphore_mem>> -> memref<1x!tpu.dma_semaphore, #tpu.memory_space<semaphore_mem>>
    %dma_start3A_332 = tpu.memref_squeeze %dma_start3A_331 : memref<1x!tpu.dma_semaphore, #tpu.memory_space<semaphore_mem>> -> memref<!tpu.dma_semaphore, #tpu.memory_space<semaphore_mem>>
    %dma_start3A_333 = arith.constant 0 : i32
    %dma_start3A_334 = tpu.memref_slice %arg9[%dma_start3A_323, %dma_start3A_333] : memref<7x48xi32, #tpu.memory_space<vmem>> -> memref<1x48xi32, #tpu.memory_space<vmem>>
    %dma_start3A_335 = tpu.memref_squeeze %dma_start3A_334 : memref<1x48xi32, #tpu.memory_space<vmem>> -> memref<48xi32, #tpu.memory_space<vmem>>
    %dma_start3A_336 = arith.constant 0 : i32
    %dma_start3A_337 = tpu.memref_slice %arg4[%add3A, %dma_start3A_322, %dma_start3A_336] : memref<32x209x48xi32, #tpu.memory_space<hbm>> -> memref<1x1x48xi32, #tpu.memory_space<hbm>>
    %dma_start3A_338 = tpu.memref_squeeze %dma_start3A_337 : memref<1x1x48xi32, #tpu.memory_space<hbm>> -> memref<48xi32, #tpu.memory_space<hbm>>
    tpu.enqueue_dma source(%dma_start3A_338 : memref<48xi32, #tpu.memory_space<hbm>>) target(%dma_start3A_335 : memref<48xi32, #tpu.memory_space<vmem>>) target_semaphore(%dma_start3A_332 : memref<!tpu.dma_semaphore, #tpu.memory_space<semaphore_mem>>)
    %dma_wait3A_339 = arith.constant 4 : i32
    %dma_wait3A_340 = arith.constant 4 : i32
    %dma_wait3A_341 = arith.constant 4 : i32
    %dma_wait3A_342 = arith.constant 0 : i32
    %dma_wait3A_343 = tpu.memref_slice %arg8[%dma_wait3A_340, %dma_wait3A_342] : memref<8x48xi32, #tpu.memory_space<vmem>> -> memref<1x48xi32, #tpu.memory_space<vmem>>
    %dma_wait3A_344 = tpu.memref_squeeze %dma_wait3A_343 : memref<1x48xi32, #tpu.memory_space<vmem>> -> memref<48xi32, #tpu.memory_space<vmem>>
    %dma_wait3A_345 = arith.constant 0 : i32
    %dma_wait3A_346 = tpu.memref_slice %arg3[%add3A, %dma_wait3A_339, %dma_wait3A_345] : memref<32x209x48xi32, #tpu.memory_space<hbm>> -> memref<1x1x48xi32, #tpu.memory_space<hbm>>
    %dma_wait3A_347 = tpu.memref_squeeze %dma_wait3A_346 : memref<1x1x48xi32, #tpu.memory_space<hbm>> -> memref<48xi32, #tpu.memory_space<hbm>>
    %dma_wait3A_348 = tpu.memref_slice %arg11[%dma_wait3A_341] : memref<8x!tpu.dma_semaphore, #tpu.memory_space<semaphore_mem>> -> memref<1x!tpu.dma_semaphore, #tpu.memory_space<semaphore_mem>>
    %dma_wait3A_349 = tpu.memref_squeeze %dma_wait3A_348 : memref<1x!tpu.dma_semaphore, #tpu.memory_space<semaphore_mem>> -> memref<!tpu.dma_semaphore, #tpu.memory_space<semaphore_mem>>
    %dma_wait3A_350 = arith.constant 0 : i32
    %dma_wait3A_351 = tpu.memref_slice %arg8[%dma_wait3A_340, %dma_wait3A_350] : memref<8x48xi32, #tpu.memory_space<vmem>> -> memref<1x48xi32, #tpu.memory_space<vmem>>
    %dma_wait3A_352 = tpu.memref_squeeze %dma_wait3A_351 : memref<1x48xi32, #tpu.memory_space<vmem>> -> memref<48xi32, #tpu.memory_space<vmem>>
    %dma_wait3A_353 = arith.constant 0 : i32
    %dma_wait3A_354 = tpu.memref_slice %arg3[%add3A, %dma_wait3A_339, %dma_wait3A_353] : memref<32x209x48xi32, #tpu.memory_space<hbm>> -> memref<1x1x48xi32, #tpu.memory_space<hbm>>
    %dma_wait3A_355 = tpu.memref_squeeze %dma_wait3A_354 : memref<1x1x48xi32, #tpu.memory_space<hbm>> -> memref<48xi32, #tpu.memory_space<hbm>>
    tpu.wait_dma2 semaphore(%dma_wait3A_349 : memref<!tpu.dma_semaphore, #tpu.memory_space<semaphore_mem>>) src(%dma_wait3A_355 : memref<48xi32, #tpu.memory_space<hbm>>) dst(%dma_wait3A_352 : memref<48xi32, #tpu.memory_space<vmem>>)
    %dma_start3A_356 = arith.constant 4 : i32
    %dma_start3A_357 = arith.constant 4 : i32
    %dma_start3A_358 = arith.constant 4 : i32
    %dma_start3A_359 = arith.constant 0 : i32
    %dma_start3A_360 = arith.constant 0 : i32
    %dma_start3A_361 = tpu.memref_slice %arg10[%dma_start3A_357, %dma_start3A_359, %dma_start3A_360] : memref<7x48x128xf32, #tpu.memory_space<vmem>> -> memref<1x48x128xf32, #tpu.memory_space<vmem>>
    %dma_start3A_362 = tpu.memref_squeeze %dma_start3A_361 : memref<1x48x128xf32, #tpu.memory_space<vmem>> -> memref<48x128xf32, #tpu.memory_space<vmem>>
    %dma_start3A_363 = arith.constant 0 : i32
    %dma_start3A_364 = tpu.memref_slice %arg8[%dma_start3A_356, %dma_start3A_363] : memref<8x48xi32, #tpu.memory_space<vmem>> -> memref<1x48xi32, #tpu.memory_space<vmem>>
    %dma_start3A_365 = tpu.memref_squeeze %dma_start3A_364 : memref<1x48xi32, #tpu.memory_space<vmem>> -> memref<48xi32, #tpu.memory_space<vmem>>
    %dma_start3A_366 = arith.constant 0 : i32
    %dma_start3A_367 = arith.constant 0 : i32
    %dma_start3A_368 = tpu.memref_slice %arg2[%dma_start3A_366, %dma_start3A_367] : memref<10240x128xf32, #tpu.memory_space<hbm>> -> memref<10240x128xf32, #tpu.memory_space<hbm>>
    %dma_start3A_369 = tpu.memref_slice %arg12[%dma_start3A_358] : memref<7x!tpu.dma_semaphore, #tpu.memory_space<semaphore_mem>> -> memref<1x!tpu.dma_semaphore, #tpu.memory_space<semaphore_mem>>
    %dma_start3A_370 = tpu.memref_squeeze %dma_start3A_369 : memref<1x!tpu.dma_semaphore, #tpu.memory_space<semaphore_mem>> -> memref<!tpu.dma_semaphore, #tpu.memory_space<semaphore_mem>>
    tpu.enqueue_indirect_dma source(%dma_start3A_368 : memref<10240x128xf32, #tpu.memory_space<hbm>>) target(%dma_start3A_362 : memref<48x128xf32, #tpu.memory_space<vmem>>) offsets(%dma_start3A_365 : memref<48xi32, #tpu.memory_space<vmem>>) semaphore(%dma_start3A_370 : memref<!tpu.dma_semaphore, #tpu.memory_space<semaphore_mem>>)
    %dma_start3A_371 = arith.constant 5 : i32
    %dma_start3A_372 = arith.constant 5 : i32
    %dma_start3A_373 = arith.constant 5 : i32
    %dma_start3A_374 = arith.constant 0 : i32
    %dma_start3A_375 = tpu.memref_slice %arg9[%dma_start3A_372, %dma_start3A_374] : memref<7x48xi32, #tpu.memory_space<vmem>> -> memref<1x48xi32, #tpu.memory_space<vmem>>
    %dma_start3A_376 = tpu.memref_squeeze %dma_start3A_375 : memref<1x48xi32, #tpu.memory_space<vmem>> -> memref<48xi32, #tpu.memory_space<vmem>>
    %dma_start3A_377 = arith.constant 0 : i32
    %dma_start3A_378 = tpu.memref_slice %arg4[%add3A, %dma_start3A_371, %dma_start3A_377] : memref<32x209x48xi32, #tpu.memory_space<hbm>> -> memref<1x1x48xi32, #tpu.memory_space<hbm>>
    %dma_start3A_379 = tpu.memref_squeeze %dma_start3A_378 : memref<1x1x48xi32, #tpu.memory_space<hbm>> -> memref<48xi32, #tpu.memory_space<hbm>>
    %dma_start3A_380 = tpu.memref_slice %arg13[%dma_start3A_373] : memref<7x!tpu.dma_semaphore, #tpu.memory_space<semaphore_mem>> -> memref<1x!tpu.dma_semaphore, #tpu.memory_space<semaphore_mem>>
    %dma_start3A_381 = tpu.memref_squeeze %dma_start3A_380 : memref<1x!tpu.dma_semaphore, #tpu.memory_space<semaphore_mem>> -> memref<!tpu.dma_semaphore, #tpu.memory_space<semaphore_mem>>
    %dma_start3A_382 = arith.constant 0 : i32
    %dma_start3A_383 = tpu.memref_slice %arg9[%dma_start3A_372, %dma_start3A_382] : memref<7x48xi32, #tpu.memory_space<vmem>> -> memref<1x48xi32, #tpu.memory_space<vmem>>
    %dma_start3A_384 = tpu.memref_squeeze %dma_start3A_383 : memref<1x48xi32, #tpu.memory_space<vmem>> -> memref<48xi32, #tpu.memory_space<vmem>>
    %dma_start3A_385 = arith.constant 0 : i32
    %dma_start3A_386 = tpu.memref_slice %arg4[%add3A, %dma_start3A_371, %dma_start3A_385] : memref<32x209x48xi32, #tpu.memory_space<hbm>> -> memref<1x1x48xi32, #tpu.memory_space<hbm>>
    %dma_start3A_387 = tpu.memref_squeeze %dma_start3A_386 : memref<1x1x48xi32, #tpu.memory_space<hbm>> -> memref<48xi32, #tpu.memory_space<hbm>>
    tpu.enqueue_dma source(%dma_start3A_387 : memref<48xi32, #tpu.memory_space<hbm>>) target(%dma_start3A_384 : memref<48xi32, #tpu.memory_space<vmem>>) target_semaphore(%dma_start3A_381 : memref<!tpu.dma_semaphore, #tpu.memory_space<semaphore_mem>>)
    %dma_wait3A_388 = arith.constant 5 : i32
    %dma_wait3A_389 = arith.constant 5 : i32
    %dma_wait3A_390 = arith.constant 5 : i32
    %dma_wait3A_391 = arith.constant 0 : i32
    %dma_wait3A_392 = tpu.memref_slice %arg8[%dma_wait3A_389, %dma_wait3A_391] : memref<8x48xi32, #tpu.memory_space<vmem>> -> memref<1x48xi32, #tpu.memory_space<vmem>>
    %dma_wait3A_393 = tpu.memref_squeeze %dma_wait3A_392 : memref<1x48xi32, #tpu.memory_space<vmem>> -> memref<48xi32, #tpu.memory_space<vmem>>
    %dma_wait3A_394 = arith.constant 0 : i32
    %dma_wait3A_395 = tpu.memref_slice %arg3[%add3A, %dma_wait3A_388, %dma_wait3A_394] : memref<32x209x48xi32, #tpu.memory_space<hbm>> -> memref<1x1x48xi32, #tpu.memory_space<hbm>>
    %dma_wait3A_396 = tpu.memref_squeeze %dma_wait3A_395 : memref<1x1x48xi32, #tpu.memory_space<hbm>> -> memref<48xi32, #tpu.memory_space<hbm>>
    %dma_wait3A_397 = tpu.memref_slice %arg11[%dma_wait3A_390] : memref<8x!tpu.dma_semaphore, #tpu.memory_space<semaphore_mem>> -> memref<1x!tpu.dma_semaphore, #tpu.memory_space<semaphore_mem>>
    %dma_wait3A_398 = tpu.memref_squeeze %dma_wait3A_397 : memref<1x!tpu.dma_semaphore, #tpu.memory_space<semaphore_mem>> -> memref<!tpu.dma_semaphore, #tpu.memory_space<semaphore_mem>>
    %dma_wait3A_399 = arith.constant 0 : i32
    %dma_wait3A_400 = tpu.memref_slice %arg8[%dma_wait3A_389, %dma_wait3A_399] : memref<8x48xi32, #tpu.memory_space<vmem>> -> memref<1x48xi32, #tpu.memory_space<vmem>>
    %dma_wait3A_401 = tpu.memref_squeeze %dma_wait3A_400 : memref<1x48xi32, #tpu.memory_space<vmem>> -> memref<48xi32, #tpu.memory_space<vmem>>
    %dma_wait3A_402 = arith.constant 0 : i32
    %dma_wait3A_403 = tpu.memref_slice %arg3[%add3A, %dma_wait3A_388, %dma_wait3A_402] : memref<32x209x48xi32, #tpu.memory_space<hbm>> -> memref<1x1x48xi32, #tpu.memory_space<hbm>>
    %dma_wait3A_404 = tpu.memref_squeeze %dma_wait3A_403 : memref<1x1x48xi32, #tpu.memory_space<hbm>> -> memref<48xi32, #tpu.memory_space<hbm>>
    tpu.wait_dma2 semaphore(%dma_wait3A_398 : memref<!tpu.dma_semaphore, #tpu.memory_space<semaphore_mem>>) src(%dma_wait3A_404 : memref<48xi32, #tpu.memory_space<hbm>>) dst(%dma_wait3A_401 : memref<48xi32, #tpu.memory_space<vmem>>)
    %dma_start3A_405 = arith.constant 5 : i32
    %dma_start3A_406 = arith.constant 5 : i32
    %dma_start3A_407 = arith.constant 5 : i32
    %dma_start3A_408 = arith.constant 0 : i32
    %dma_start3A_409 = arith.constant 0 : i32
    %dma_start3A_410 = tpu.memref_slice %arg10[%dma_start3A_406, %dma_start3A_408, %dma_start3A_409] : memref<7x48x128xf32, #tpu.memory_space<vmem>> -> memref<1x48x128xf32, #tpu.memory_space<vmem>>
    %dma_start3A_411 = tpu.memref_squeeze %dma_start3A_410 : memref<1x48x128xf32, #tpu.memory_space<vmem>> -> memref<48x128xf32, #tpu.memory_space<vmem>>
    %dma_start3A_412 = arith.constant 0 : i32
    %dma_start3A_413 = tpu.memref_slice %arg8[%dma_start3A_405, %dma_start3A_412] : memref<8x48xi32, #tpu.memory_space<vmem>> -> memref<1x48xi32, #tpu.memory_space<vmem>>
    %dma_start3A_414 = tpu.memref_squeeze %dma_start3A_413 : memref<1x48xi32, #tpu.memory_space<vmem>> -> memref<48xi32, #tpu.memory_space<vmem>>
    %dma_start3A_415 = arith.constant 0 : i32
    %dma_start3A_416 = arith.constant 0 : i32
    %dma_start3A_417 = tpu.memref_slice %arg2[%dma_start3A_415, %dma_start3A_416] : memref<10240x128xf32, #tpu.memory_space<hbm>> -> memref<10240x128xf32, #tpu.memory_space<hbm>>
    %dma_start3A_418 = tpu.memref_slice %arg12[%dma_start3A_407] : memref<7x!tpu.dma_semaphore, #tpu.memory_space<semaphore_mem>> -> memref<1x!tpu.dma_semaphore, #tpu.memory_space<semaphore_mem>>
    %dma_start3A_419 = tpu.memref_squeeze %dma_start3A_418 : memref<1x!tpu.dma_semaphore, #tpu.memory_space<semaphore_mem>> -> memref<!tpu.dma_semaphore, #tpu.memory_space<semaphore_mem>>
    tpu.enqueue_indirect_dma source(%dma_start3A_417 : memref<10240x128xf32, #tpu.memory_space<hbm>>) target(%dma_start3A_411 : memref<48x128xf32, #tpu.memory_space<vmem>>) offsets(%dma_start3A_414 : memref<48xi32, #tpu.memory_space<vmem>>) semaphore(%dma_start3A_419 : memref<!tpu.dma_semaphore, #tpu.memory_space<semaphore_mem>>)
    %scan3A = arith.constant 0 : i32
    %scan3A_420 = arith.constant 209 : i32
    %scan3A_421 = arith.addi %scan3A, %scan3A_420 : i32
    %scan3A_422 = arith.constant 1 : i32
    scf.for %scan3A_530 = %scan3A to %scan3A_421 step %scan3A_422  : i32 {
      %rem3A = arith.constant 7 : i32
      %rem3A_531 = arith.remsi %scan3A_530, %rem3A : i32
      %add3A_532 = arith.constant 7 : i32
      %add3A_533 = arith.addi %scan3A_530, %add3A_532 : i32
      %sub3A = arith.constant 1 : i32
      %sub3A_534 = arith.subi %add3A_533, %sub3A : i32
      %lt3A = arith.constant 209 : i32
      %lt3A_535 = arith.cmpi slt, %sub3A_534, %lt3A : i32
      %convert_element_type3A_536 = arith.extui %lt3A_535 : i1 to i32
      %cond3A_537 = arith.constant 0 : i32
      %cond3A_538 = arith.cmpi ne, %convert_element_type3A_536, %cond3A_537 : i32
      scf.if %cond3A_538 {
        %rem3A_579 = arith.constant 7 : i32
        %rem3A_580 = arith.remsi %sub3A_534, %rem3A_579 : i32
        %rem3A_581 = arith.constant 8 : i32
        %rem3A_582 = arith.remsi %sub3A_534, %rem3A_581 : i32
        %ge3A = arith.constant 1 : i32
        %ge3A_583 = arith.cmpi sge, %scan3A_530, %ge3A : i32
        %convert_element_type3A_584 = arith.extui %ge3A_583 : i1 to i32
        %cond3A_585 = arith.constant 0 : i32
        %cond3A_586 = arith.cmpi ne, %convert_element_type3A_584, %cond3A_585 : i32
        scf.if %cond3A_586 {
          %dma_wait3A_634 = arith.constant 0 : i32
          %dma_wait3A_635 = arith.constant 0 : i32
          %dma_wait3A_636 = tpu.memref_slice %arg10[%rem3A_580, %dma_wait3A_634, %dma_wait3A_635] : memref<7x48x128xf32, #tpu.memory_space<vmem>> -> memref<1x48x128xf32, #tpu.memory_space<vmem>>
          %dma_wait3A_637 = tpu.memref_squeeze %dma_wait3A_636 : memref<1x48x128xf32, #tpu.memory_space<vmem>> -> memref<48x128xf32, #tpu.memory_space<vmem>>
          %dma_wait3A_638 = arith.constant 0 : i32
          %dma_wait3A_639 = tpu.memref_slice %arg9[%rem3A_580, %dma_wait3A_638] : memref<7x48xi32, #tpu.memory_space<vmem>> -> memref<1x48xi32, #tpu.memory_space<vmem>>
          %dma_wait3A_640 = tpu.memref_squeeze %dma_wait3A_639 : memref<1x48xi32, #tpu.memory_space<vmem>> -> memref<48xi32, #tpu.memory_space<vmem>>
          %dma_wait3A_641 = arith.constant 0 : i32
          %dma_wait3A_642 = arith.constant 0 : i32
          %dma_wait3A_643 = tpu.memref_slice %arg7[%dma_wait3A_641, %dma_wait3A_642] : memref<10240x128xf32, #tpu.memory_space<vmem_shared>> -> memref<10240x128xf32, #tpu.memory_space<vmem_shared>>
          %dma_wait3A_644 = tpu.memref_slice %arg14[%rem3A_580] : memref<7x!tpu.dma_semaphore, #tpu.memory_space<semaphore_mem>> -> memref<1x!tpu.dma_semaphore, #tpu.memory_space<semaphore_mem>>
          %dma_wait3A_645 = tpu.memref_squeeze %dma_wait3A_644 : memref<1x!tpu.dma_semaphore, #tpu.memory_space<semaphore_mem>> -> memref<!tpu.dma_semaphore, #tpu.memory_space<semaphore_mem>>
          tpu.wait_indirect_dma semaphore(%dma_wait3A_645 : memref<!tpu.dma_semaphore, #tpu.memory_space<semaphore_mem>>) src(%dma_wait3A_637 : memref<48x128xf32, #tpu.memory_space<vmem>>) dst(%dma_wait3A_643 : memref<10240x128xf32, #tpu.memory_space<vmem_shared>>)
        } else {
        }
        %dma_start3A_587 = arith.constant 0 : i32
        %dma_start3A_588 = tpu.memref_slice %arg9[%rem3A_580, %dma_start3A_587] : memref<7x48xi32, #tpu.memory_space<vmem>> -> memref<1x48xi32, #tpu.memory_space<vmem>>
        %dma_start3A_589 = tpu.memref_squeeze %dma_start3A_588 : memref<1x48xi32, #tpu.memory_space<vmem>> -> memref<48xi32, #tpu.memory_space<vmem>>
        %dma_start3A_590 = arith.constant 0 : i32
        %dma_start3A_591 = tpu.memref_slice %arg4[%add3A, %sub3A_534, %dma_start3A_590] : memref<32x209x48xi32, #tpu.memory_space<hbm>> -> memref<1x1x48xi32, #tpu.memory_space<hbm>>
        %dma_start3A_592 = tpu.memref_squeeze %dma_start3A_591 : memref<1x1x48xi32, #tpu.memory_space<hbm>> -> memref<48xi32, #tpu.memory_space<hbm>>
        %dma_start3A_593 = tpu.memref_slice %arg13[%rem3A_580] : memref<7x!tpu.dma_semaphore, #tpu.memory_space<semaphore_mem>> -> memref<1x!tpu.dma_semaphore, #tpu.memory_space<semaphore_mem>>
        %dma_start3A_594 = tpu.memref_squeeze %dma_start3A_593 : memref<1x!tpu.dma_semaphore, #tpu.memory_space<semaphore_mem>> -> memref<!tpu.dma_semaphore, #tpu.memory_space<semaphore_mem>>
        %dma_start3A_595 = arith.constant 0 : i32
        %dma_start3A_596 = tpu.memref_slice %arg9[%rem3A_580, %dma_start3A_595] : memref<7x48xi32, #tpu.memory_space<vmem>> -> memref<1x48xi32, #tpu.memory_space<vmem>>
        %dma_start3A_597 = tpu.memref_squeeze %dma_start3A_596 : memref<1x48xi32, #tpu.memory_space<vmem>> -> memref<48xi32, #tpu.memory_space<vmem>>
        %dma_start3A_598 = arith.constant 0 : i32
        %dma_start3A_599 = tpu.memref_slice %arg4[%add3A, %sub3A_534, %dma_start3A_598] : memref<32x209x48xi32, #tpu.memory_space<hbm>> -> memref<1x1x48xi32, #tpu.memory_space<hbm>>
        %dma_start3A_600 = tpu.memref_squeeze %dma_start3A_599 : memref<1x1x48xi32, #tpu.memory_space<hbm>> -> memref<48xi32, #tpu.memory_space<hbm>>
        tpu.enqueue_dma source(%dma_start3A_600 : memref<48xi32, #tpu.memory_space<hbm>>) target(%dma_start3A_597 : memref<48xi32, #tpu.memory_space<vmem>>) target_semaphore(%dma_start3A_594 : memref<!tpu.dma_semaphore, #tpu.memory_space<semaphore_mem>>)
        %add3A_601 = arith.constant 1 : i32
        %add3A_602 = arith.addi %sub3A_534, %add3A_601 : i32
        %lt3A_603 = arith.constant 209 : i32
        %lt3A_604 = arith.cmpi slt, %add3A_602, %lt3A_603 : i32
        %convert_element_type3A_605 = arith.extui %lt3A_604 : i1 to i32
        %cond3A_606 = arith.constant 0 : i32
        %cond3A_607 = arith.cmpi ne, %convert_element_type3A_605, %cond3A_606 : i32
        scf.if %cond3A_607 {
          %add3A_634 = arith.constant 1 : i32
          %add3A_635 = arith.addi %sub3A_534, %add3A_634 : i32
          %rem3A_636 = arith.constant 8 : i32
          %rem3A_637 = arith.remsi %add3A_635, %rem3A_636 : i32
          %add3A_638 = arith.constant 1 : i32
          %add3A_639 = arith.addi %sub3A_534, %add3A_638 : i32
          %dma_start3A_640 = arith.constant 0 : i32
          %dma_start3A_641 = tpu.memref_slice %arg8[%rem3A_637, %dma_start3A_640] : memref<8x48xi32, #tpu.memory_space<vmem>> -> memref<1x48xi32, #tpu.memory_space<vmem>>
          %dma_start3A_642 = tpu.memref_squeeze %dma_start3A_641 : memref<1x48xi32, #tpu.memory_space<vmem>> -> memref<48xi32, #tpu.memory_space<vmem>>
          %dma_start3A_643 = arith.constant 0 : i32
          %dma_start3A_644 = tpu.memref_slice %arg3[%add3A, %add3A_639, %dma_start3A_643] : memref<32x209x48xi32, #tpu.memory_space<hbm>> -> memref<1x1x48xi32, #tpu.memory_space<hbm>>
          %dma_start3A_645 = tpu.memref_squeeze %dma_start3A_644 : memref<1x1x48xi32, #tpu.memory_space<hbm>> -> memref<48xi32, #tpu.memory_space<hbm>>
          %dma_start3A_646 = tpu.memref_slice %arg11[%rem3A_637] : memref<8x!tpu.dma_semaphore, #tpu.memory_space<semaphore_mem>> -> memref<1x!tpu.dma_semaphore, #tpu.memory_space<semaphore_mem>>
          %dma_start3A_647 = tpu.memref_squeeze %dma_start3A_646 : memref<1x!tpu.dma_semaphore, #tpu.memory_space<semaphore_mem>> -> memref<!tpu.dma_semaphore, #tpu.memory_space<semaphore_mem>>
          %dma_start3A_648 = arith.constant 0 : i32
          %dma_start3A_649 = tpu.memref_slice %arg8[%rem3A_637, %dma_start3A_648] : memref<8x48xi32, #tpu.memory_space<vmem>> -> memref<1x48xi32, #tpu.memory_space<vmem>>
          %dma_start3A_650 = tpu.memref_squeeze %dma_start3A_649 : memref<1x48xi32, #tpu.memory_space<vmem>> -> memref<48xi32, #tpu.memory_space<vmem>>
          %dma_start3A_651 = arith.constant 0 : i32
          %dma_start3A_652 = tpu.memref_slice %arg3[%add3A, %add3A_639, %dma_start3A_651] : memref<32x209x48xi32, #tpu.memory_space<hbm>> -> memref<1x1x48xi32, #tpu.memory_space<hbm>>
          %dma_start3A_653 = tpu.memref_squeeze %dma_start3A_652 : memref<1x1x48xi32, #tpu.memory_space<hbm>> -> memref<48xi32, #tpu.memory_space<hbm>>
          tpu.enqueue_dma source(%dma_start3A_653 : memref<48xi32, #tpu.memory_space<hbm>>) target(%dma_start3A_650 : memref<48xi32, #tpu.memory_space<vmem>>) target_semaphore(%dma_start3A_647 : memref<!tpu.dma_semaphore, #tpu.memory_space<semaphore_mem>>)
        } else {
        }
        %dma_wait3A_608 = arith.constant 0 : i32
        %dma_wait3A_609 = tpu.memref_slice %arg8[%rem3A_582, %dma_wait3A_608] : memref<8x48xi32, #tpu.memory_space<vmem>> -> memref<1x48xi32, #tpu.memory_space<vmem>>
        %dma_wait3A_610 = tpu.memref_squeeze %dma_wait3A_609 : memref<1x48xi32, #tpu.memory_space<vmem>> -> memref<48xi32, #tpu.memory_space<vmem>>
        %dma_wait3A_611 = arith.constant 0 : i32
        %dma_wait3A_612 = tpu.memref_slice %arg3[%add3A, %sub3A_534, %dma_wait3A_611] : memref<32x209x48xi32, #tpu.memory_space<hbm>> -> memref<1x1x48xi32, #tpu.memory_space<hbm>>
        %dma_wait3A_613 = tpu.memref_squeeze %dma_wait3A_612 : memref<1x1x48xi32, #tpu.memory_space<hbm>> -> memref<48xi32, #tpu.memory_space<hbm>>
        %dma_wait3A_614 = tpu.memref_slice %arg11[%rem3A_582] : memref<8x!tpu.dma_semaphore, #tpu.memory_space<semaphore_mem>> -> memref<1x!tpu.dma_semaphore, #tpu.memory_space<semaphore_mem>>
        %dma_wait3A_615 = tpu.memref_squeeze %dma_wait3A_614 : memref<1x!tpu.dma_semaphore, #tpu.memory_space<semaphore_mem>> -> memref<!tpu.dma_semaphore, #tpu.memory_space<semaphore_mem>>
        %dma_wait3A_616 = arith.constant 0 : i32
        %dma_wait3A_617 = tpu.memref_slice %arg8[%rem3A_582, %dma_wait3A_616] : memref<8x48xi32, #tpu.memory_space<vmem>> -> memref<1x48xi32, #tpu.memory_space<vmem>>
        %dma_wait3A_618 = tpu.memref_squeeze %dma_wait3A_617 : memref<1x48xi32, #tpu.memory_space<vmem>> -> memref<48xi32, #tpu.memory_space<vmem>>
        %dma_wait3A_619 = arith.constant 0 : i32
        %dma_wait3A_620 = tpu.memref_slice %arg3[%add3A, %sub3A_534, %dma_wait3A_619] : memref<32x209x48xi32, #tpu.memory_space<hbm>> -> memref<1x1x48xi32, #tpu.memory_space<hbm>>
        %dma_wait3A_621 = tpu.memref_squeeze %dma_wait3A_620 : memref<1x1x48xi32, #tpu.memory_space<hbm>> -> memref<48xi32, #tpu.memory_space<hbm>>
        tpu.wait_dma2 semaphore(%dma_wait3A_615 : memref<!tpu.dma_semaphore, #tpu.memory_space<semaphore_mem>>) src(%dma_wait3A_621 : memref<48xi32, #tpu.memory_space<hbm>>) dst(%dma_wait3A_618 : memref<48xi32, #tpu.memory_space<vmem>>)
        %dma_start3A_622 = arith.constant 0 : i32
        %dma_start3A_623 = arith.constant 0 : i32
        %dma_start3A_624 = tpu.memref_slice %arg10[%rem3A_580, %dma_start3A_622, %dma_start3A_623] : memref<7x48x128xf32, #tpu.memory_space<vmem>> -> memref<1x48x128xf32, #tpu.memory_space<vmem>>
        %dma_start3A_625 = tpu.memref_squeeze %dma_start3A_624 : memref<1x48x128xf32, #tpu.memory_space<vmem>> -> memref<48x128xf32, #tpu.memory_space<vmem>>
        %dma_start3A_626 = arith.constant 0 : i32
        %dma_start3A_627 = tpu.memref_slice %arg8[%rem3A_582, %dma_start3A_626] : memref<8x48xi32, #tpu.memory_space<vmem>> -> memref<1x48xi32, #tpu.memory_space<vmem>>
        %dma_start3A_628 = tpu.memref_squeeze %dma_start3A_627 : memref<1x48xi32, #tpu.memory_space<vmem>> -> memref<48xi32, #tpu.memory_space<vmem>>
        %dma_start3A_629 = arith.constant 0 : i32
        %dma_start3A_630 = arith.constant 0 : i32
        %dma_start3A_631 = tpu.memref_slice %arg2[%dma_start3A_629, %dma_start3A_630] : memref<10240x128xf32, #tpu.memory_space<hbm>> -> memref<10240x128xf32, #tpu.memory_space<hbm>>
        %dma_start3A_632 = tpu.memref_slice %arg12[%rem3A_580] : memref<7x!tpu.dma_semaphore, #tpu.memory_space<semaphore_mem>> -> memref<1x!tpu.dma_semaphore, #tpu.memory_space<semaphore_mem>>
        %dma_start3A_633 = tpu.memref_squeeze %dma_start3A_632 : memref<1x!tpu.dma_semaphore, #tpu.memory_space<semaphore_mem>> -> memref<!tpu.dma_semaphore, #tpu.memory_space<semaphore_mem>>
        tpu.enqueue_indirect_dma source(%dma_start3A_631 : memref<10240x128xf32, #tpu.memory_space<hbm>>) target(%dma_start3A_625 : memref<48x128xf32, #tpu.memory_space<vmem>>) offsets(%dma_start3A_628 : memref<48xi32, #tpu.memory_space<vmem>>) semaphore(%dma_start3A_633 : memref<!tpu.dma_semaphore, #tpu.memory_space<semaphore_mem>>)
      } else {
      }
      %rem3A_539 = arith.constant 8 : i32
      %rem3A_540 = arith.remsi %scan3A_530, %rem3A_539 : i32
      %dma_wait3A_541 = arith.constant 0 : i32
      %dma_wait3A_542 = arith.constant 0 : i32
      %dma_wait3A_543 = tpu.memref_slice %arg10[%rem3A_531, %dma_wait3A_541, %dma_wait3A_542] : memref<7x48x128xf32, #tpu.memory_space<vmem>> -> memref<1x48x128xf32, #tpu.memory_space<vmem>>
      %dma_wait3A_544 = tpu.memref_squeeze %dma_wait3A_543 : memref<1x48x128xf32, #tpu.memory_space<vmem>> -> memref<48x128xf32, #tpu.memory_space<vmem>>
      %dma_wait3A_545 = arith.constant 0 : i32
      %dma_wait3A_546 = tpu.memref_slice %arg8[%rem3A_540, %dma_wait3A_545] : memref<8x48xi32, #tpu.memory_space<vmem>> -> memref<1x48xi32, #tpu.memory_space<vmem>>
      %dma_wait3A_547 = tpu.memref_squeeze %dma_wait3A_546 : memref<1x48xi32, #tpu.memory_space<vmem>> -> memref<48xi32, #tpu.memory_space<vmem>>
      %dma_wait3A_548 = arith.constant 0 : i32
      %dma_wait3A_549 = arith.constant 0 : i32
      %dma_wait3A_550 = tpu.memref_slice %arg2[%dma_wait3A_548, %dma_wait3A_549] : memref<10240x128xf32, #tpu.memory_space<hbm>> -> memref<10240x128xf32, #tpu.memory_space<hbm>>
      %dma_wait3A_551 = tpu.memref_slice %arg12[%rem3A_531] : memref<7x!tpu.dma_semaphore, #tpu.memory_space<semaphore_mem>> -> memref<1x!tpu.dma_semaphore, #tpu.memory_space<semaphore_mem>>
      %dma_wait3A_552 = tpu.memref_squeeze %dma_wait3A_551 : memref<1x!tpu.dma_semaphore, #tpu.memory_space<semaphore_mem>> -> memref<!tpu.dma_semaphore, #tpu.memory_space<semaphore_mem>>
      tpu.wait_indirect_dma semaphore(%dma_wait3A_552 : memref<!tpu.dma_semaphore, #tpu.memory_space<semaphore_mem>>) src(%dma_wait3A_550 : memref<10240x128xf32, #tpu.memory_space<hbm>>) dst(%dma_wait3A_544 : memref<48x128xf32, #tpu.memory_space<vmem>>)
      %dma_wait3A_553 = arith.constant 0 : i32
      %dma_wait3A_554 = tpu.memref_slice %arg9[%rem3A_531, %dma_wait3A_553] : memref<7x48xi32, #tpu.memory_space<vmem>> -> memref<1x48xi32, #tpu.memory_space<vmem>>
      %dma_wait3A_555 = tpu.memref_squeeze %dma_wait3A_554 : memref<1x48xi32, #tpu.memory_space<vmem>> -> memref<48xi32, #tpu.memory_space<vmem>>
      %dma_wait3A_556 = arith.constant 0 : i32
      %dma_wait3A_557 = tpu.memref_slice %arg4[%add3A, %scan3A_530, %dma_wait3A_556] : memref<32x209x48xi32, #tpu.memory_space<hbm>> -> memref<1x1x48xi32, #tpu.memory_space<hbm>>
      %dma_wait3A_558 = tpu.memref_squeeze %dma_wait3A_557 : memref<1x1x48xi32, #tpu.memory_space<hbm>> -> memref<48xi32, #tpu.memory_space<hbm>>
      %dma_wait3A_559 = tpu.memref_slice %arg13[%rem3A_531] : memref<7x!tpu.dma_semaphore, #tpu.memory_space<semaphore_mem>> -> memref<1x!tpu.dma_semaphore, #tpu.memory_space<semaphore_mem>>
      %dma_wait3A_560 = tpu.memref_squeeze %dma_wait3A_559 : memref<1x!tpu.dma_semaphore, #tpu.memory_space<semaphore_mem>> -> memref<!tpu.dma_semaphore, #tpu.memory_space<semaphore_mem>>
      %dma_wait3A_561 = arith.constant 0 : i32
      %dma_wait3A_562 = tpu.memref_slice %arg9[%rem3A_531, %dma_wait3A_561] : memref<7x48xi32, #tpu.memory_space<vmem>> -> memref<1x48xi32, #tpu.memory_space<vmem>>
      %dma_wait3A_563 = tpu.memref_squeeze %dma_wait3A_562 : memref<1x48xi32, #tpu.memory_space<vmem>> -> memref<48xi32, #tpu.memory_space<vmem>>
      %dma_wait3A_564 = arith.constant 0 : i32
      %dma_wait3A_565 = tpu.memref_slice %arg4[%add3A, %scan3A_530, %dma_wait3A_564] : memref<32x209x48xi32, #tpu.memory_space<hbm>> -> memref<1x1x48xi32, #tpu.memory_space<hbm>>
      %dma_wait3A_566 = tpu.memref_squeeze %dma_wait3A_565 : memref<1x1x48xi32, #tpu.memory_space<hbm>> -> memref<48xi32, #tpu.memory_space<hbm>>
      tpu.wait_dma2 semaphore(%dma_wait3A_560 : memref<!tpu.dma_semaphore, #tpu.memory_space<semaphore_mem>>) src(%dma_wait3A_566 : memref<48xi32, #tpu.memory_space<hbm>>) dst(%dma_wait3A_563 : memref<48xi32, #tpu.memory_space<vmem>>)
      %dma_start3A_567 = arith.constant 0 : i32
      %dma_start3A_568 = arith.constant 0 : i32
      %dma_start3A_569 = tpu.memref_slice %arg10[%rem3A_531, %dma_start3A_567, %dma_start3A_568] : memref<7x48x128xf32, #tpu.memory_space<vmem>> -> memref<1x48x128xf32, #tpu.memory_space<vmem>>
      %dma_start3A_570 = tpu.memref_squeeze %dma_start3A_569 : memref<1x48x128xf32, #tpu.memory_space<vmem>> -> memref<48x128xf32, #tpu.memory_space<vmem>>
      %dma_start3A_571 = arith.constant 0 : i32
      %dma_start3A_572 = tpu.memref_slice %arg9[%rem3A_531, %dma_start3A_571] : memref<7x48xi32, #tpu.memory_space<vmem>> -> memref<1x48xi32, #tpu.memory_space<vmem>>
      %dma_start3A_573 = tpu.memref_squeeze %dma_start3A_572 : memref<1x48xi32, #tpu.memory_space<vmem>> -> memref<48xi32, #tpu.memory_space<vmem>>
      %dma_start3A_574 = arith.constant 0 : i32
      %dma_start3A_575 = arith.constant 0 : i32
      %dma_start3A_576 = tpu.memref_slice %arg7[%dma_start3A_574, %dma_start3A_575] : memref<10240x128xf32, #tpu.memory_space<vmem_shared>> -> memref<10240x128xf32, #tpu.memory_space<vmem_shared>>
      %dma_start3A_577 = tpu.memref_slice %arg14[%rem3A_531] : memref<7x!tpu.dma_semaphore, #tpu.memory_space<semaphore_mem>> -> memref<1x!tpu.dma_semaphore, #tpu.memory_space<semaphore_mem>>
      %dma_start3A_578 = tpu.memref_squeeze %dma_start3A_577 : memref<1x!tpu.dma_semaphore, #tpu.memory_space<semaphore_mem>> -> memref<!tpu.dma_semaphore, #tpu.memory_space<semaphore_mem>>
      tpu.enqueue_indirect_dma source(%dma_start3A_570 : memref<48x128xf32, #tpu.memory_space<vmem>>) target(%dma_start3A_576 : memref<10240x128xf32, #tpu.memory_space<vmem_shared>>) offsets(%dma_start3A_573 : memref<48xi32, #tpu.memory_space<vmem>>) semaphore(%dma_start3A_578 : memref<!tpu.dma_semaphore, #tpu.memory_space<semaphore_mem>>) {add = true}
    }
    %scan3A_423 = arith.constant 209 : i32
    %dma_wait3A_424 = arith.constant 6 : i32
    %dma_wait3A_425 = arith.constant 6 : i32
    %dma_wait3A_426 = arith.constant 6 : i32
    %dma_wait3A_427 = arith.constant 0 : i32
    %dma_wait3A_428 = arith.constant 0 : i32
    %dma_wait3A_429 = tpu.memref_slice %arg10[%dma_wait3A_424, %dma_wait3A_427, %dma_wait3A_428] : memref<7x48x128xf32, #tpu.memory_space<vmem>> -> memref<1x48x128xf32, #tpu.memory_space<vmem>>
    %dma_wait3A_430 = tpu.memref_squeeze %dma_wait3A_429 : memref<1x48x128xf32, #tpu.memory_space<vmem>> -> memref<48x128xf32, #tpu.memory_space<vmem>>
    %dma_wait3A_431 = arith.constant 0 : i32
    %dma_wait3A_432 = tpu.memref_slice %arg9[%dma_wait3A_425, %dma_wait3A_431] : memref<7x48xi32, #tpu.memory_space<vmem>> -> memref<1x48xi32, #tpu.memory_space<vmem>>
    %dma_wait3A_433 = tpu.memref_squeeze %dma_wait3A_432 : memref<1x48xi32, #tpu.memory_space<vmem>> -> memref<48xi32, #tpu.memory_space<vmem>>
    %dma_wait3A_434 = arith.constant 0 : i32
    %dma_wait3A_435 = arith.constant 0 : i32
    %dma_wait3A_436 = tpu.memref_slice %arg7[%dma_wait3A_434, %dma_wait3A_435] : memref<10240x128xf32, #tpu.memory_space<vmem_shared>> -> memref<10240x128xf32, #tpu.memory_space<vmem_shared>>
    %dma_wait3A_437 = tpu.memref_slice %arg14[%dma_wait3A_426] : memref<7x!tpu.dma_semaphore, #tpu.memory_space<semaphore_mem>> -> memref<1x!tpu.dma_semaphore, #tpu.memory_space<semaphore_mem>>
    %dma_wait3A_438 = tpu.memref_squeeze %dma_wait3A_437 : memref<1x!tpu.dma_semaphore, #tpu.memory_space<semaphore_mem>> -> memref<!tpu.dma_semaphore, #tpu.memory_space<semaphore_mem>>
    tpu.wait_indirect_dma semaphore(%dma_wait3A_438 : memref<!tpu.dma_semaphore, #tpu.memory_space<semaphore_mem>>) src(%dma_wait3A_430 : memref<48x128xf32, #tpu.memory_space<vmem>>) dst(%dma_wait3A_436 : memref<10240x128xf32, #tpu.memory_space<vmem_shared>>)
    %dma_wait3A_439 = arith.constant 0 : i32
    %dma_wait3A_440 = arith.constant 0 : i32
    %dma_wait3A_441 = arith.constant 0 : i32
    %dma_wait3A_442 = arith.constant 0 : i32
    %dma_wait3A_443 = arith.constant 0 : i32
    %dma_wait3A_444 = tpu.memref_slice %arg10[%dma_wait3A_439, %dma_wait3A_442, %dma_wait3A_443] : memref<7x48x128xf32, #tpu.memory_space<vmem>> -> memref<1x48x128xf32, #tpu.memory_space<vmem>>
    %dma_wait3A_445 = tpu.memref_squeeze %dma_wait3A_444 : memref<1x48x128xf32, #tpu.memory_space<vmem>> -> memref<48x128xf32, #tpu.memory_space<vmem>>
    %dma_wait3A_446 = arith.constant 0 : i32
    %dma_wait3A_447 = tpu.memref_slice %arg9[%dma_wait3A_440, %dma_wait3A_446] : memref<7x48xi32, #tpu.memory_space<vmem>> -> memref<1x48xi32, #tpu.memory_space<vmem>>
    %dma_wait3A_448 = tpu.memref_squeeze %dma_wait3A_447 : memref<1x48xi32, #tpu.memory_space<vmem>> -> memref<48xi32, #tpu.memory_space<vmem>>
    %dma_wait3A_449 = arith.constant 0 : i32
    %dma_wait3A_450 = arith.constant 0 : i32
    %dma_wait3A_451 = tpu.memref_slice %arg7[%dma_wait3A_449, %dma_wait3A_450] : memref<10240x128xf32, #tpu.memory_space<vmem_shared>> -> memref<10240x128xf32, #tpu.memory_space<vmem_shared>>
    %dma_wait3A_452 = tpu.memref_slice %arg14[%dma_wait3A_441] : memref<7x!tpu.dma_semaphore, #tpu.memory_space<semaphore_mem>> -> memref<1x!tpu.dma_semaphore, #tpu.memory_space<semaphore_mem>>
    %dma_wait3A_453 = tpu.memref_squeeze %dma_wait3A_452 : memref<1x!tpu.dma_semaphore, #tpu.memory_space<semaphore_mem>> -> memref<!tpu.dma_semaphore, #tpu.memory_space<semaphore_mem>>
    tpu.wait_indirect_dma semaphore(%dma_wait3A_453 : memref<!tpu.dma_semaphore, #tpu.memory_space<semaphore_mem>>) src(%dma_wait3A_445 : memref<48x128xf32, #tpu.memory_space<vmem>>) dst(%dma_wait3A_451 : memref<10240x128xf32, #tpu.memory_space<vmem_shared>>)
    %dma_wait3A_454 = arith.constant 1 : i32
    %dma_wait3A_455 = arith.constant 1 : i32
    %dma_wait3A_456 = arith.constant 1 : i32
    %dma_wait3A_457 = arith.constant 0 : i32
    %dma_wait3A_458 = arith.constant 0 : i32
    %dma_wait3A_459 = tpu.memref_slice %arg10[%dma_wait3A_454, %dma_wait3A_457, %dma_wait3A_458] : memref<7x48x128xf32, #tpu.memory_space<vmem>> -> memref<1x48x128xf32, #tpu.memory_space<vmem>>
    %dma_wait3A_460 = tpu.memref_squeeze %dma_wait3A_459 : memref<1x48x128xf32, #tpu.memory_space<vmem>> -> memref<48x128xf32, #tpu.memory_space<vmem>>
    %dma_wait3A_461 = arith.constant 0 : i32
    %dma_wait3A_462 = tpu.memref_slice %arg9[%dma_wait3A_455, %dma_wait3A_461] : memref<7x48xi32, #tpu.memory_space<vmem>> -> memref<1x48xi32, #tpu.memory_space<vmem>>
    %dma_wait3A_463 = tpu.memref_squeeze %dma_wait3A_462 : memref<1x48xi32, #tpu.memory_space<vmem>> -> memref<48xi32, #tpu.memory_space<vmem>>
    %dma_wait3A_464 = arith.constant 0 : i32
    %dma_wait3A_465 = arith.constant 0 : i32
    %dma_wait3A_466 = tpu.memref_slice %arg7[%dma_wait3A_464, %dma_wait3A_465] : memref<10240x128xf32, #tpu.memory_space<vmem_shared>> -> memref<10240x128xf32, #tpu.memory_space<vmem_shared>>
    %dma_wait3A_467 = tpu.memref_slice %arg14[%dma_wait3A_456] : memref<7x!tpu.dma_semaphore, #tpu.memory_space<semaphore_mem>> -> memref<1x!tpu.dma_semaphore, #tpu.memory_space<semaphore_mem>>
    %dma_wait3A_468 = tpu.memref_squeeze %dma_wait3A_467 : memref<1x!tpu.dma_semaphore, #tpu.memory_space<semaphore_mem>> -> memref<!tpu.dma_semaphore, #tpu.memory_space<semaphore_mem>>
    tpu.wait_indirect_dma semaphore(%dma_wait3A_468 : memref<!tpu.dma_semaphore, #tpu.memory_space<semaphore_mem>>) src(%dma_wait3A_460 : memref<48x128xf32, #tpu.memory_space<vmem>>) dst(%dma_wait3A_466 : memref<10240x128xf32, #tpu.memory_space<vmem_shared>>)
    %dma_wait3A_469 = arith.constant 2 : i32
    %dma_wait3A_470 = arith.constant 2 : i32
    %dma_wait3A_471 = arith.constant 2 : i32
    %dma_wait3A_472 = arith.constant 0 : i32
    %dma_wait3A_473 = arith.constant 0 : i32
    %dma_wait3A_474 = tpu.memref_slice %arg10[%dma_wait3A_469, %dma_wait3A_472, %dma_wait3A_473] : memref<7x48x128xf32, #tpu.memory_space<vmem>> -> memref<1x48x128xf32, #tpu.memory_space<vmem>>
    %dma_wait3A_475 = tpu.memref_squeeze %dma_wait3A_474 : memref<1x48x128xf32, #tpu.memory_space<vmem>> -> memref<48x128xf32, #tpu.memory_space<vmem>>
    %dma_wait3A_476 = arith.constant 0 : i32
    %dma_wait3A_477 = tpu.memref_slice %arg9[%dma_wait3A_470, %dma_wait3A_476] : memref<7x48xi32, #tpu.memory_space<vmem>> -> memref<1x48xi32, #tpu.memory_space<vmem>>
    %dma_wait3A_478 = tpu.memref_squeeze %dma_wait3A_477 : memref<1x48xi32, #tpu.memory_space<vmem>> -> memref<48xi32, #tpu.memory_space<vmem>>
    %dma_wait3A_479 = arith.constant 0 : i32
    %dma_wait3A_480 = arith.constant 0 : i32
    %dma_wait3A_481 = tpu.memref_slice %arg7[%dma_wait3A_479, %dma_wait3A_480] : memref<10240x128xf32, #tpu.memory_space<vmem_shared>> -> memref<10240x128xf32, #tpu.memory_space<vmem_shared>>
    %dma_wait3A_482 = tpu.memref_slice %arg14[%dma_wait3A_471] : memref<7x!tpu.dma_semaphore, #tpu.memory_space<semaphore_mem>> -> memref<1x!tpu.dma_semaphore, #tpu.memory_space<semaphore_mem>>
    %dma_wait3A_483 = tpu.memref_squeeze %dma_wait3A_482 : memref<1x!tpu.dma_semaphore, #tpu.memory_space<semaphore_mem>> -> memref<!tpu.dma_semaphore, #tpu.memory_space<semaphore_mem>>
    tpu.wait_indirect_dma semaphore(%dma_wait3A_483 : memref<!tpu.dma_semaphore, #tpu.memory_space<semaphore_mem>>) src(%dma_wait3A_475 : memref<48x128xf32, #tpu.memory_space<vmem>>) dst(%dma_wait3A_481 : memref<10240x128xf32, #tpu.memory_space<vmem_shared>>)
    %dma_wait3A_484 = arith.constant 3 : i32
    %dma_wait3A_485 = arith.constant 3 : i32
    %dma_wait3A_486 = arith.constant 3 : i32
    %dma_wait3A_487 = arith.constant 0 : i32
    %dma_wait3A_488 = arith.constant 0 : i32
    %dma_wait3A_489 = tpu.memref_slice %arg10[%dma_wait3A_484, %dma_wait3A_487, %dma_wait3A_488] : memref<7x48x128xf32, #tpu.memory_space<vmem>> -> memref<1x48x128xf32, #tpu.memory_space<vmem>>
    %dma_wait3A_490 = tpu.memref_squeeze %dma_wait3A_489 : memref<1x48x128xf32, #tpu.memory_space<vmem>> -> memref<48x128xf32, #tpu.memory_space<vmem>>
    %dma_wait3A_491 = arith.constant 0 : i32
    %dma_wait3A_492 = tpu.memref_slice %arg9[%dma_wait3A_485, %dma_wait3A_491] : memref<7x48xi32, #tpu.memory_space<vmem>> -> memref<1x48xi32, #tpu.memory_space<vmem>>
    %dma_wait3A_493 = tpu.memref_squeeze %dma_wait3A_492 : memref<1x48xi32, #tpu.memory_space<vmem>> -> memref<48xi32, #tpu.memory_space<vmem>>
    %dma_wait3A_494 = arith.constant 0 : i32
    %dma_wait3A_495 = arith.constant 0 : i32
    %dma_wait3A_496 = tpu.memref_slice %arg7[%dma_wait3A_494, %dma_wait3A_495] : memref<10240x128xf32, #tpu.memory_space<vmem_shared>> -> memref<10240x128xf32, #tpu.memory_space<vmem_shared>>
    %dma_wait3A_497 = tpu.memref_slice %arg14[%dma_wait3A_486] : memref<7x!tpu.dma_semaphore, #tpu.memory_space<semaphore_mem>> -> memref<1x!tpu.dma_semaphore, #tpu.memory_space<semaphore_mem>>
    %dma_wait3A_498 = tpu.memref_squeeze %dma_wait3A_497 : memref<1x!tpu.dma_semaphore, #tpu.memory_space<semaphore_mem>> -> memref<!tpu.dma_semaphore, #tpu.memory_space<semaphore_mem>>
    tpu.wait_indirect_dma semaphore(%dma_wait3A_498 : memref<!tpu.dma_semaphore, #tpu.memory_space<semaphore_mem>>) src(%dma_wait3A_490 : memref<48x128xf32, #tpu.memory_space<vmem>>) dst(%dma_wait3A_496 : memref<10240x128xf32, #tpu.memory_space<vmem_shared>>)
    %dma_wait3A_499 = arith.constant 4 : i32
    %dma_wait3A_500 = arith.constant 4 : i32
    %dma_wait3A_501 = arith.constant 4 : i32
    %dma_wait3A_502 = arith.constant 0 : i32
    %dma_wait3A_503 = arith.constant 0 : i32
    %dma_wait3A_504 = tpu.memref_slice %arg10[%dma_wait3A_499, %dma_wait3A_502, %dma_wait3A_503] : memref<7x48x128xf32, #tpu.memory_space<vmem>> -> memref<1x48x128xf32, #tpu.memory_space<vmem>>
    %dma_wait3A_505 = tpu.memref_squeeze %dma_wait3A_504 : memref<1x48x128xf32, #tpu.memory_space<vmem>> -> memref<48x128xf32, #tpu.memory_space<vmem>>
    %dma_wait3A_506 = arith.constant 0 : i32
    %dma_wait3A_507 = tpu.memref_slice %arg9[%dma_wait3A_500, %dma_wait3A_506] : memref<7x48xi32, #tpu.memory_space<vmem>> -> memref<1x48xi32, #tpu.memory_space<vmem>>
    %dma_wait3A_508 = tpu.memref_squeeze %dma_wait3A_507 : memref<1x48xi32, #tpu.memory_space<vmem>> -> memref<48xi32, #tpu.memory_space<vmem>>
    %dma_wait3A_509 = arith.constant 0 : i32
    %dma_wait3A_510 = arith.constant 0 : i32
    %dma_wait3A_511 = tpu.memref_slice %arg7[%dma_wait3A_509, %dma_wait3A_510] : memref<10240x128xf32, #tpu.memory_space<vmem_shared>> -> memref<10240x128xf32, #tpu.memory_space<vmem_shared>>
    %dma_wait3A_512 = tpu.memref_slice %arg14[%dma_wait3A_501] : memref<7x!tpu.dma_semaphore, #tpu.memory_space<semaphore_mem>> -> memref<1x!tpu.dma_semaphore, #tpu.memory_space<semaphore_mem>>
    %dma_wait3A_513 = tpu.memref_squeeze %dma_wait3A_512 : memref<1x!tpu.dma_semaphore, #tpu.memory_space<semaphore_mem>> -> memref<!tpu.dma_semaphore, #tpu.memory_space<semaphore_mem>>
    tpu.wait_indirect_dma semaphore(%dma_wait3A_513 : memref<!tpu.dma_semaphore, #tpu.memory_space<semaphore_mem>>) src(%dma_wait3A_505 : memref<48x128xf32, #tpu.memory_space<vmem>>) dst(%dma_wait3A_511 : memref<10240x128xf32, #tpu.memory_space<vmem_shared>>)
    %dma_wait3A_514 = arith.constant 5 : i32
    %dma_wait3A_515 = arith.constant 5 : i32
    %dma_wait3A_516 = arith.constant 5 : i32
    %dma_wait3A_517 = arith.constant 0 : i32
    %dma_wait3A_518 = arith.constant 0 : i32
    %dma_wait3A_519 = tpu.memref_slice %arg10[%dma_wait3A_514, %dma_wait3A_517, %dma_wait3A_518] : memref<7x48x128xf32, #tpu.memory_space<vmem>> -> memref<1x48x128xf32, #tpu.memory_space<vmem>>
    %dma_wait3A_520 = tpu.memref_squeeze %dma_wait3A_519 : memref<1x48x128xf32, #tpu.memory_space<vmem>> -> memref<48x128xf32, #tpu.memory_space<vmem>>
    %dma_wait3A_521 = arith.constant 0 : i32
    %dma_wait3A_522 = tpu.memref_slice %arg9[%dma_wait3A_515, %dma_wait3A_521] : memref<7x48xi32, #tpu.memory_space<vmem>> -> memref<1x48xi32, #tpu.memory_space<vmem>>
    %dma_wait3A_523 = tpu.memref_squeeze %dma_wait3A_522 : memref<1x48xi32, #tpu.memory_space<vmem>> -> memref<48xi32, #tpu.memory_space<vmem>>
    %dma_wait3A_524 = arith.constant 0 : i32
    %dma_wait3A_525 = arith.constant 0 : i32
    %dma_wait3A_526 = tpu.memref_slice %arg7[%dma_wait3A_524, %dma_wait3A_525] : memref<10240x128xf32, #tpu.memory_space<vmem_shared>> -> memref<10240x128xf32, #tpu.memory_space<vmem_shared>>
    %dma_wait3A_527 = tpu.memref_slice %arg14[%dma_wait3A_516] : memref<7x!tpu.dma_semaphore, #tpu.memory_space<semaphore_mem>> -> memref<1x!tpu.dma_semaphore, #tpu.memory_space<semaphore_mem>>
    %dma_wait3A_528 = tpu.memref_squeeze %dma_wait3A_527 : memref<1x!tpu.dma_semaphore, #tpu.memory_space<semaphore_mem>> -> memref<!tpu.dma_semaphore, #tpu.memory_space<semaphore_mem>>
    tpu.wait_indirect_dma semaphore(%dma_wait3A_528 : memref<!tpu.dma_semaphore, #tpu.memory_space<semaphore_mem>>) src(%dma_wait3A_520 : memref<48x128xf32, #tpu.memory_space<vmem>>) dst(%dma_wait3A_526 : memref<10240x128xf32, #tpu.memory_space<vmem_shared>>)
    %barrier3A_529 = arith.constant 0 : index
    tpu.barrier barrier_id(%barrier3A_529)
    "tpu.region"() ({
      %run_scoped3A = tpu.sem_alloc : memref<!tpu.dma_semaphore, #tpu.memory_space<semaphore_mem>>
      %dma_start3A_530 = arith.constant 0 : i32
      %dma_start3A_531 = tpu.memref_slice %arg6[%arg0, %mul3A_2, %dma_start3A_530] : memref<2x10240x128xf32, #tpu.memory_space<hbm>> -> memref<1x640x128xf32, #tpu.memory_space<hbm>>
      %dma_start3A_532 = tpu.memref_squeeze %dma_start3A_531 : memref<1x640x128xf32, #tpu.memory_space<hbm>> -> memref<640x128xf32, #tpu.memory_space<hbm>>
      %dma_start3A_533 = arith.constant 0 : i32
      %dma_start3A_534 = tpu.memref_slice %arg7[%mul3A_2, %dma_start3A_533] : memref<10240x128xf32, #tpu.memory_space<vmem_shared>> -> memref<640x128xf32, #tpu.memory_space<vmem_shared>>
      tpu.enqueue_dma source(%dma_start3A_534 : memref<640x128xf32, #tpu.memory_space<vmem_shared>>) target(%dma_start3A_532 : memref<640x128xf32, #tpu.memory_space<hbm>>) target_semaphore(%run_scoped3A : memref<!tpu.dma_semaphore, #tpu.memory_space<semaphore_mem>>)
      %dma_wait3A_535 = arith.constant 0 : i32
      %dma_wait3A_536 = tpu.memref_slice %arg6[%arg0, %mul3A_2, %dma_wait3A_535] : memref<2x10240x128xf32, #tpu.memory_space<hbm>> -> memref<1x640x128xf32, #tpu.memory_space<hbm>>
      %dma_wait3A_537 = tpu.memref_squeeze %dma_wait3A_536 : memref<1x640x128xf32, #tpu.memory_space<hbm>> -> memref<640x128xf32, #tpu.memory_space<hbm>>
      %dma_wait3A_538 = arith.constant 0 : i32
      %dma_wait3A_539 = tpu.memref_slice %arg7[%mul3A_2, %dma_wait3A_538] : memref<10240x128xf32, #tpu.memory_space<vmem_shared>> -> memref<640x128xf32, #tpu.memory_space<vmem_shared>>
      tpu.wait_dma2 semaphore(%run_scoped3A : memref<!tpu.dma_semaphore, #tpu.memory_space<semaphore_mem>>) src(%dma_wait3A_539 : memref<640x128xf32, #tpu.memory_space<vmem_shared>>) dst(%dma_wait3A_537 : memref<640x128xf32, #tpu.memory_space<hbm>>)
      tpu.yield
    }) : () -> ()
    return
  }
}

#map = affine_map<(d0, d1) -> (0, 0, 0)>
#map1 = affine_map<(d0, d1) -> (0)>
#map2 = affine_map<(d0, d1) -> (0, 0)>
module attributes {stable_mosaic.version = 14 : i64} {
  func.func @_deg_sc(%arg0: i32, %arg1: i32, %arg2: memref<32x79x128xi32, #tpu.memory_space<hbm>>, %arg3: memref<128xf32, #tpu.memory_space<hbm>>, %arg4: memref<10240xf32, #tpu.memory_space<hbm>>, %arg5: memref<2x10240xf32, #tpu.memory_space<hbm>>, %arg6: memref<10240xf32, #tpu.memory_space<vmem_shared>>, %arg7: memref<2x128xi32, #tpu.memory_space<vmem>>, %arg8: memref<128xf32, #tpu.memory_space<vmem>>, %arg9: memref<2x!tpu.dma_semaphore, #tpu.memory_space<semaphore_mem>>, %arg10: memref<2x!tpu.dma_semaphore, #tpu.memory_space<semaphore_mem>>) attributes {dimension_semantics = [#tpu.dimension_semantics<core_parallel>, #tpu.dimension_semantics<subcore_parallel>], iteration_bounds = array<i64: 2, 16>, scalar_prefetch = 0 : i64, scratch_operands = 5 : i64, tpu.core_type = #tpu.core_type<sc_vector_subcore>, window_params = [{transform_indices = #map}, {transform_indices = #map1}, {transform_indices = #map1}, {transform_indices = #map2}]} {
    %mul3A = arith.constant 16 : i32
    %mul3A_0 = arith.muli %arg0, %mul3A : i32
    %add3A = arith.addi %mul3A_0, %arg1 : i32
    %mul3A_1 = arith.constant 640 : i32
    %mul3A_2 = arith.muli %arg1, %mul3A_1 : i32
    "tpu.region"() ({
      %run_scoped3A = tpu.sem_alloc : memref<!tpu.dma_semaphore, #tpu.memory_space<semaphore_mem>>
      %dma_start3A_41 = tpu.memref_slice %arg6[%mul3A_2] : memref<10240xf32, #tpu.memory_space<vmem_shared>> -> memref<640xf32, #tpu.memory_space<vmem_shared>>
      %dma_start3A_42 = tpu.memref_slice %arg4[%mul3A_2] : memref<10240xf32, #tpu.memory_space<hbm>> -> memref<640xf32, #tpu.memory_space<hbm>>
      tpu.enqueue_dma source(%dma_start3A_42 : memref<640xf32, #tpu.memory_space<hbm>>) target(%dma_start3A_41 : memref<640xf32, #tpu.memory_space<vmem_shared>>) target_semaphore(%run_scoped3A : memref<!tpu.dma_semaphore, #tpu.memory_space<semaphore_mem>>)
      %dma_wait3A_43 = tpu.memref_slice %arg6[%mul3A_2] : memref<10240xf32, #tpu.memory_space<vmem_shared>> -> memref<640xf32, #tpu.memory_space<vmem_shared>>
      %dma_wait3A_44 = tpu.memref_slice %arg4[%mul3A_2] : memref<10240xf32, #tpu.memory_space<hbm>> -> memref<640xf32, #tpu.memory_space<hbm>>
      tpu.wait_dma2 semaphore(%run_scoped3A : memref<!tpu.dma_semaphore, #tpu.memory_space<semaphore_mem>>) src(%dma_wait3A_44 : memref<640xf32, #tpu.memory_space<hbm>>) dst(%dma_wait3A_43 : memref<640xf32, #tpu.memory_space<vmem_shared>>)
      tpu.yield
    }) : () -> ()
    "tpu.region"() ({
      %run_scoped3A = tpu.sem_alloc : memref<!tpu.dma_semaphore, #tpu.memory_space<semaphore_mem>>
      tpu.enqueue_dma source(%arg3 : memref<128xf32, #tpu.memory_space<hbm>>) target(%arg8 : memref<128xf32, #tpu.memory_space<vmem>>) target_semaphore(%run_scoped3A : memref<!tpu.dma_semaphore, #tpu.memory_space<semaphore_mem>>)
      tpu.wait_dma2 semaphore(%run_scoped3A : memref<!tpu.dma_semaphore, #tpu.memory_space<semaphore_mem>>) src(%arg3 : memref<128xf32, #tpu.memory_space<hbm>>) dst(%arg8 : memref<128xf32, #tpu.memory_space<vmem>>)
      tpu.yield
    }) : () -> ()
    %barrier3A = arith.constant 0 : index
    tpu.barrier barrier_id(%barrier3A)
    %dma_start3A = arith.constant 0 : i32
    %dma_start3A_3 = arith.constant 0 : i32
    %dma_start3A_4 = arith.constant 0 : i32
    %dma_start3A_5 = arith.constant 0 : i32
    %dma_start3A_6 = tpu.memref_slice %arg7[%dma_start3A_3, %dma_start3A_5] : memref<2x128xi32, #tpu.memory_space<vmem>> -> memref<1x128xi32, #tpu.memory_space<vmem>>
    %dma_start3A_7 = tpu.memref_squeeze %dma_start3A_6 : memref<1x128xi32, #tpu.memory_space<vmem>> -> memref<128xi32, #tpu.memory_space<vmem>>
    %dma_start3A_8 = arith.constant 0 : i32
    %dma_start3A_9 = tpu.memref_slice %arg2[%add3A, %dma_start3A, %dma_start3A_8] : memref<32x79x128xi32, #tpu.memory_space<hbm>> -> memref<1x1x128xi32, #tpu.memory_space<hbm>>
    %dma_start3A_10 = tpu.memref_squeeze %dma_start3A_9 : memref<1x1x128xi32, #tpu.memory_space<hbm>> -> memref<128xi32, #tpu.memory_space<hbm>>
    %dma_start3A_11 = tpu.memref_slice %arg9[%dma_start3A_4] : memref<2x!tpu.dma_semaphore, #tpu.memory_space<semaphore_mem>> -> memref<1x!tpu.dma_semaphore, #tpu.memory_space<semaphore_mem>>
    %dma_start3A_12 = tpu.memref_squeeze %dma_start3A_11 : memref<1x!tpu.dma_semaphore, #tpu.memory_space<semaphore_mem>> -> memref<!tpu.dma_semaphore, #tpu.memory_space<semaphore_mem>>
    %dma_start3A_13 = arith.constant 0 : i32
    %dma_start3A_14 = tpu.memref_slice %arg7[%dma_start3A_3, %dma_start3A_13] : memref<2x128xi32, #tpu.memory_space<vmem>> -> memref<1x128xi32, #tpu.memory_space<vmem>>
    %dma_start3A_15 = tpu.memref_squeeze %dma_start3A_14 : memref<1x128xi32, #tpu.memory_space<vmem>> -> memref<128xi32, #tpu.memory_space<vmem>>
    %dma_start3A_16 = arith.constant 0 : i32
    %dma_start3A_17 = tpu.memref_slice %arg2[%add3A, %dma_start3A, %dma_start3A_16] : memref<32x79x128xi32, #tpu.memory_space<hbm>> -> memref<1x1x128xi32, #tpu.memory_space<hbm>>
    %dma_start3A_18 = tpu.memref_squeeze %dma_start3A_17 : memref<1x1x128xi32, #tpu.memory_space<hbm>> -> memref<128xi32, #tpu.memory_space<hbm>>
    tpu.enqueue_dma source(%dma_start3A_18 : memref<128xi32, #tpu.memory_space<hbm>>) target(%dma_start3A_15 : memref<128xi32, #tpu.memory_space<vmem>>) target_semaphore(%dma_start3A_12 : memref<!tpu.dma_semaphore, #tpu.memory_space<semaphore_mem>>)
    %scan3A = arith.constant 0 : i32
    %scan3A_19 = arith.constant 79 : i32
    %scan3A_20 = arith.addi %scan3A, %scan3A_19 : i32
    %scan3A_21 = arith.constant 1 : i32
    scf.for %scan3A_41 = %scan3A to %scan3A_20 step %scan3A_21  : i32 {
      %rem3A = arith.constant 2 : i32
      %rem3A_42 = arith.remsi %scan3A_41, %rem3A : i32
      %add3A_43 = arith.constant 1 : i32
      %add3A_44 = arith.addi %scan3A_41, %add3A_43 : i32
      %rem3A_45 = arith.constant 2 : i32
      %rem3A_46 = arith.remsi %add3A_44, %rem3A_45 : i32
      %add3A_47 = arith.constant 1 : i32
      %add3A_48 = arith.addi %scan3A_41, %add3A_47 : i32
      %lt3A = arith.constant 79 : i32
      %lt3A_49 = arith.cmpi slt, %add3A_48, %lt3A : i32
      %convert_element_type3A = arith.extui %lt3A_49 : i1 to i32
      %cond3A = arith.constant 0 : i32
      %cond3A_50 = arith.cmpi ne, %convert_element_type3A, %cond3A : i32
      scf.if %cond3A_50 {
        %ge3A = arith.constant 1 : i32
        %ge3A_72 = arith.cmpi sge, %scan3A_41, %ge3A : i32
        %convert_element_type3A_73 = arith.extui %ge3A_72 : i1 to i32
        %cond3A_74 = arith.constant 0 : i32
        %cond3A_75 = arith.cmpi ne, %convert_element_type3A_73, %cond3A_74 : i32
        scf.if %cond3A_75 {
          %dma_wait3A_92 = arith.constant 0 : i32
          %dma_wait3A_93 = tpu.memref_slice %arg7[%rem3A_46, %dma_wait3A_92] : memref<2x128xi32, #tpu.memory_space<vmem>> -> memref<1x128xi32, #tpu.memory_space<vmem>>
          %dma_wait3A_94 = tpu.memref_squeeze %dma_wait3A_93 : memref<1x128xi32, #tpu.memory_space<vmem>> -> memref<128xi32, #tpu.memory_space<vmem>>
          %dma_wait3A_95 = arith.constant 0 : i32
          %dma_wait3A_96 = tpu.memref_slice %arg6[%dma_wait3A_95] : memref<10240xf32, #tpu.memory_space<vmem_shared>> -> memref<10240xf32, #tpu.memory_space<vmem_shared>>
          %dma_wait3A_97 = tpu.memref_slice %arg10[%rem3A_46] : memref<2x!tpu.dma_semaphore, #tpu.memory_space<semaphore_mem>> -> memref<1x!tpu.dma_semaphore, #tpu.memory_space<semaphore_mem>>
          %dma_wait3A_98 = tpu.memref_squeeze %dma_wait3A_97 : memref<1x!tpu.dma_semaphore, #tpu.memory_space<semaphore_mem>> -> memref<!tpu.dma_semaphore, #tpu.memory_space<semaphore_mem>>
          tpu.wait_indirect_dma semaphore(%dma_wait3A_98 : memref<!tpu.dma_semaphore, #tpu.memory_space<semaphore_mem>>) src(%arg8 : memref<128xf32, #tpu.memory_space<vmem>>) dst(%dma_wait3A_96 : memref<10240xf32, #tpu.memory_space<vmem_shared>>)
        } else {
        }
        %add3A_76 = arith.constant 1 : i32
        %add3A_77 = arith.addi %scan3A_41, %add3A_76 : i32
        %dma_start3A_78 = arith.constant 0 : i32
        %dma_start3A_79 = tpu.memref_slice %arg7[%rem3A_46, %dma_start3A_78] : memref<2x128xi32, #tpu.memory_space<vmem>> -> memref<1x128xi32, #tpu.memory_space<vmem>>
        %dma_start3A_80 = tpu.memref_squeeze %dma_start3A_79 : memref<1x128xi32, #tpu.memory_space<vmem>> -> memref<128xi32, #tpu.memory_space<vmem>>
        %dma_start3A_81 = arith.constant 0 : i32
        %dma_start3A_82 = tpu.memref_slice %arg2[%add3A, %add3A_77, %dma_start3A_81] : memref<32x79x128xi32, #tpu.memory_space<hbm>> -> memref<1x1x128xi32, #tpu.memory_space<hbm>>
        %dma_start3A_83 = tpu.memref_squeeze %dma_start3A_82 : memref<1x1x128xi32, #tpu.memory_space<hbm>> -> memref<128xi32, #tpu.memory_space<hbm>>
        %dma_start3A_84 = tpu.memref_slice %arg9[%rem3A_46] : memref<2x!tpu.dma_semaphore, #tpu.memory_space<semaphore_mem>> -> memref<1x!tpu.dma_semaphore, #tpu.memory_space<semaphore_mem>>
        %dma_start3A_85 = tpu.memref_squeeze %dma_start3A_84 : memref<1x!tpu.dma_semaphore, #tpu.memory_space<semaphore_mem>> -> memref<!tpu.dma_semaphore, #tpu.memory_space<semaphore_mem>>
        %dma_start3A_86 = arith.constant 0 : i32
        %dma_start3A_87 = tpu.memref_slice %arg7[%rem3A_46, %dma_start3A_86] : memref<2x128xi32, #tpu.memory_space<vmem>> -> memref<1x128xi32, #tpu.memory_space<vmem>>
        %dma_start3A_88 = tpu.memref_squeeze %dma_start3A_87 : memref<1x128xi32, #tpu.memory_space<vmem>> -> memref<128xi32, #tpu.memory_space<vmem>>
        %dma_start3A_89 = arith.constant 0 : i32
        %dma_start3A_90 = tpu.memref_slice %arg2[%add3A, %add3A_77, %dma_start3A_89] : memref<32x79x128xi32, #tpu.memory_space<hbm>> -> memref<1x1x128xi32, #tpu.memory_space<hbm>>
        %dma_start3A_91 = tpu.memref_squeeze %dma_start3A_90 : memref<1x1x128xi32, #tpu.memory_space<hbm>> -> memref<128xi32, #tpu.memory_space<hbm>>
        tpu.enqueue_dma source(%dma_start3A_91 : memref<128xi32, #tpu.memory_space<hbm>>) target(%dma_start3A_88 : memref<128xi32, #tpu.memory_space<vmem>>) target_semaphore(%dma_start3A_85 : memref<!tpu.dma_semaphore, #tpu.memory_space<semaphore_mem>>)
      } else {
      }
      %dma_wait3A_51 = arith.constant 0 : i32
      %dma_wait3A_52 = tpu.memref_slice %arg7[%rem3A_42, %dma_wait3A_51] : memref<2x128xi32, #tpu.memory_space<vmem>> -> memref<1x128xi32, #tpu.memory_space<vmem>>
      %dma_wait3A_53 = tpu.memref_squeeze %dma_wait3A_52 : memref<1x128xi32, #tpu.memory_space<vmem>> -> memref<128xi32, #tpu.memory_space<vmem>>
      %dma_wait3A_54 = arith.constant 0 : i32
      %dma_wait3A_55 = tpu.memref_slice %arg2[%add3A, %scan3A_41, %dma_wait3A_54] : memref<32x79x128xi32, #tpu.memory_space<hbm>> -> memref<1x1x128xi32, #tpu.memory_space<hbm>>
      %dma_wait3A_56 = tpu.memref_squeeze %dma_wait3A_55 : memref<1x1x128xi32, #tpu.memory_space<hbm>> -> memref<128xi32, #tpu.memory_space<hbm>>
      %dma_wait3A_57 = tpu.memref_slice %arg9[%rem3A_42] : memref<2x!tpu.dma_semaphore, #tpu.memory_space<semaphore_mem>> -> memref<1x!tpu.dma_semaphore, #tpu.memory_space<semaphore_mem>>
      %dma_wait3A_58 = tpu.memref_squeeze %dma_wait3A_57 : memref<1x!tpu.dma_semaphore, #tpu.memory_space<semaphore_mem>> -> memref<!tpu.dma_semaphore, #tpu.memory_space<semaphore_mem>>
      %dma_wait3A_59 = arith.constant 0 : i32
      %dma_wait3A_60 = tpu.memref_slice %arg7[%rem3A_42, %dma_wait3A_59] : memref<2x128xi32, #tpu.memory_space<vmem>> -> memref<1x128xi32, #tpu.memory_space<vmem>>
      %dma_wait3A_61 = tpu.memref_squeeze %dma_wait3A_60 : memref<1x128xi32, #tpu.memory_space<vmem>> -> memref<128xi32, #tpu.memory_space<vmem>>
      %dma_wait3A_62 = arith.constant 0 : i32
      %dma_wait3A_63 = tpu.memref_slice %arg2[%add3A, %scan3A_41, %dma_wait3A_62] : memref<32x79x128xi32, #tpu.memory_space<hbm>> -> memref<1x1x128xi32, #tpu.memory_space<hbm>>
      %dma_wait3A_64 = tpu.memref_squeeze %dma_wait3A_63 : memref<1x1x128xi32, #tpu.memory_space<hbm>> -> memref<128xi32, #tpu.memory_space<hbm>>
      tpu.wait_dma2 semaphore(%dma_wait3A_58 : memref<!tpu.dma_semaphore, #tpu.memory_space<semaphore_mem>>) src(%dma_wait3A_64 : memref<128xi32, #tpu.memory_space<hbm>>) dst(%dma_wait3A_61 : memref<128xi32, #tpu.memory_space<vmem>>)
      %dma_start3A_65 = arith.constant 0 : i32
      %dma_start3A_66 = tpu.memref_slice %arg7[%rem3A_42, %dma_start3A_65] : memref<2x128xi32, #tpu.memory_space<vmem>> -> memref<1x128xi32, #tpu.memory_space<vmem>>
      %dma_start3A_67 = tpu.memref_squeeze %dma_start3A_66 : memref<1x128xi32, #tpu.memory_space<vmem>> -> memref<128xi32, #tpu.memory_space<vmem>>
      %dma_start3A_68 = arith.constant 0 : i32
      %dma_start3A_69 = tpu.memref_slice %arg6[%dma_start3A_68] : memref<10240xf32, #tpu.memory_space<vmem_shared>> -> memref<10240xf32, #tpu.memory_space<vmem_shared>>
      %dma_start3A_70 = tpu.memref_slice %arg10[%rem3A_42] : memref<2x!tpu.dma_semaphore, #tpu.memory_space<semaphore_mem>> -> memref<1x!tpu.dma_semaphore, #tpu.memory_space<semaphore_mem>>
      %dma_start3A_71 = tpu.memref_squeeze %dma_start3A_70 : memref<1x!tpu.dma_semaphore, #tpu.memory_space<semaphore_mem>> -> memref<!tpu.dma_semaphore, #tpu.memory_space<semaphore_mem>>
      tpu.enqueue_indirect_dma source(%arg8 : memref<128xf32, #tpu.memory_space<vmem>>) target(%dma_start3A_69 : memref<10240xf32, #tpu.memory_space<vmem_shared>>) offsets(%dma_start3A_67 : memref<128xi32, #tpu.memory_space<vmem>>) semaphore(%dma_start3A_71 : memref<!tpu.dma_semaphore, #tpu.memory_space<semaphore_mem>>) {add = true}
    }
    %scan3A_22 = arith.constant 79 : i32
    %dma_wait3A = arith.constant 1 : i32
    %dma_wait3A_23 = arith.constant 1 : i32
    %dma_wait3A_24 = arith.constant 0 : i32
    %dma_wait3A_25 = tpu.memref_slice %arg7[%dma_wait3A, %dma_wait3A_24] : memref<2x128xi32, #tpu.memory_space<vmem>> -> memref<1x128xi32, #tpu.memory_space<vmem>>
    %dma_wait3A_26 = tpu.memref_squeeze %dma_wait3A_25 : memref<1x128xi32, #tpu.memory_space<vmem>> -> memref<128xi32, #tpu.memory_space<vmem>>
    %dma_wait3A_27 = arith.constant 0 : i32
    %dma_wait3A_28 = tpu.memref_slice %arg6[%dma_wait3A_27] : memref<10240xf32, #tpu.memory_space<vmem_shared>> -> memref<10240xf32, #tpu.memory_space<vmem_shared>>
    %dma_wait3A_29 = tpu.memref_slice %arg10[%dma_wait3A_23] : memref<2x!tpu.dma_semaphore, #tpu.memory_space<semaphore_mem>> -> memref<1x!tpu.dma_semaphore, #tpu.memory_space<semaphore_mem>>
    %dma_wait3A_30 = tpu.memref_squeeze %dma_wait3A_29 : memref<1x!tpu.dma_semaphore, #tpu.memory_space<semaphore_mem>> -> memref<!tpu.dma_semaphore, #tpu.memory_space<semaphore_mem>>
    tpu.wait_indirect_dma semaphore(%dma_wait3A_30 : memref<!tpu.dma_semaphore, #tpu.memory_space<semaphore_mem>>) src(%arg8 : memref<128xf32, #tpu.memory_space<vmem>>) dst(%dma_wait3A_28 : memref<10240xf32, #tpu.memory_space<vmem_shared>>)
    %dma_wait3A_31 = arith.constant 0 : i32
    %dma_wait3A_32 = arith.constant 0 : i32
    %dma_wait3A_33 = arith.constant 0 : i32
    %dma_wait3A_34 = tpu.memref_slice %arg7[%dma_wait3A_31, %dma_wait3A_33] : memref<2x128xi32, #tpu.memory_space<vmem>> -> memref<1x128xi32, #tpu.memory_space<vmem>>
    %dma_wait3A_35 = tpu.memref_squeeze %dma_wait3A_34 : memref<1x128xi32, #tpu.memory_space<vmem>> -> memref<128xi32, #tpu.memory_space<vmem>>
    %dma_wait3A_36 = arith.constant 0 : i32
    %dma_wait3A_37 = tpu.memref_slice %arg6[%dma_wait3A_36] : memref<10240xf32, #tpu.memory_space<vmem_shared>> -> memref<10240xf32, #tpu.memory_space<vmem_shared>>
    %dma_wait3A_38 = tpu.memref_slice %arg10[%dma_wait3A_32] : memref<2x!tpu.dma_semaphore, #tpu.memory_space<semaphore_mem>> -> memref<1x!tpu.dma_semaphore, #tpu.memory_space<semaphore_mem>>
    %dma_wait3A_39 = tpu.memref_squeeze %dma_wait3A_38 : memref<1x!tpu.dma_semaphore, #tpu.memory_space<semaphore_mem>> -> memref<!tpu.dma_semaphore, #tpu.memory_space<semaphore_mem>>
    tpu.wait_indirect_dma semaphore(%dma_wait3A_39 : memref<!tpu.dma_semaphore, #tpu.memory_space<semaphore_mem>>) src(%arg8 : memref<128xf32, #tpu.memory_space<vmem>>) dst(%dma_wait3A_37 : memref<10240xf32, #tpu.memory_space<vmem_shared>>)
    %barrier3A_40 = arith.constant 0 : index
    tpu.barrier barrier_id(%barrier3A_40)
    "tpu.region"() ({
      %run_scoped3A = tpu.sem_alloc : memref<!tpu.dma_semaphore, #tpu.memory_space<semaphore_mem>>
      %dma_start3A_41 = tpu.memref_slice %arg5[%arg0, %mul3A_2] : memref<2x10240xf32, #tpu.memory_space<hbm>> -> memref<1x640xf32, #tpu.memory_space<hbm>>
      %dma_start3A_42 = tpu.memref_squeeze %dma_start3A_41 : memref<1x640xf32, #tpu.memory_space<hbm>> -> memref<640xf32, #tpu.memory_space<hbm>>
      %dma_start3A_43 = tpu.memref_slice %arg6[%mul3A_2] : memref<10240xf32, #tpu.memory_space<vmem_shared>> -> memref<640xf32, #tpu.memory_space<vmem_shared>>
      tpu.enqueue_dma source(%dma_start3A_43 : memref<640xf32, #tpu.memory_space<vmem_shared>>) target(%dma_start3A_42 : memref<640xf32, #tpu.memory_space<hbm>>) target_semaphore(%run_scoped3A : memref<!tpu.dma_semaphore, #tpu.memory_space<semaphore_mem>>)
      %dma_wait3A_44 = tpu.memref_slice %arg5[%arg0, %mul3A_2] : memref<2x10240xf32, #tpu.memory_space<hbm>> -> memref<1x640xf32, #tpu.memory_space<hbm>>
      %dma_wait3A_45 = tpu.memref_squeeze %dma_wait3A_44 : memref<1x640xf32, #tpu.memory_space<hbm>> -> memref<640xf32, #tpu.memory_space<hbm>>
      %dma_wait3A_46 = tpu.memref_slice %arg6[%mul3A_2] : memref<10240xf32, #tpu.memory_space<vmem_shared>> -> memref<640xf32, #tpu.memory_space<vmem_shared>>
      tpu.wait_dma2 semaphore(%run_scoped3A : memref<!tpu.dma_semaphore, #tpu.memory_space<semaphore_mem>>) src(%dma_wait3A_46 : memref<640xf32, #tpu.memory_space<vmem_shared>>) dst(%dma_wait3A_45 : memref<640xf32, #tpu.memory_space<hbm>>)
      tpu.yield
    }) : () -> ()
    return
  }
}

module attributes {stable_mosaic.version = 14 : i64} {
  func.func @_mlp_body(%arg0: i32, %arg1: memref<1024x128xf32, #tpu.memory_space<vmem>>, %arg2: memref<128x128xf32, #tpu.memory_space<vmem>>, %arg3: memref<128xf32, #tpu.memory_space<vmem>>, %arg4: memref<128x128xf32, #tpu.memory_space<vmem>>, %arg5: memref<128xf32, #tpu.memory_space<vmem>>, %arg6: memref<128x128xf32, #tpu.memory_space<vmem>>, %arg7: memref<128xf32, #tpu.memory_space<vmem>>, %arg8: memref<1024x128xf32, #tpu.memory_space<vmem>>) attributes {dimension_semantics = [#tpu.dimension_semantics<arbitrary>], iteration_bounds = array<i64: 10>, scalar_prefetch = 0 : i64, scratch_operands = 0 : i64, tpu.core_type = #tpu.core_type<tc>, window_params = [{transform_indices = @transform_0, window_bounds = array<i64: 1024, 128>}, {pipeline_mode = #tpu.pipeline_mode<synchronous>, transform_indices = @transform_1, window_bounds = array<i64: 128, 128>}, {pipeline_mode = #tpu.pipeline_mode<synchronous>, transform_indices = @transform_2, window_bounds = array<i64: 128>}, {pipeline_mode = #tpu.pipeline_mode<synchronous>, transform_indices = @transform_3, window_bounds = array<i64: 128, 128>}, {pipeline_mode = #tpu.pipeline_mode<synchronous>, transform_indices = @transform_4, window_bounds = array<i64: 128>}, {pipeline_mode = #tpu.pipeline_mode<synchronous>, transform_indices = @transform_5, window_bounds = array<i64: 128, 128>}, {pipeline_mode = #tpu.pipeline_mode<synchronous>, transform_indices = @transform_6, window_bounds = array<i64: 128>}, {transform_indices = @transform_7, window_bounds = array<i64: 1024, 128>}]} {
    %get3A = arith.constant 0 : index
    %get3A_0 = arith.constant 0 : index
    %get3A_1 = vector.load %arg1[%get3A, %get3A_0] : memref<1024x128xf32, #tpu.memory_space<vmem>>, vector<1024x128xf32>
    %get3A_2 = arith.constant 0 : index
    %get3A_3 = arith.constant 0 : index
    %get3A_4 = vector.load %arg2[%get3A_2, %get3A_3] : memref<128x128xf32, #tpu.memory_space<vmem>>, vector<128x128xf32>
    %dot_general3A = arith.constant dense<0.000000e+00> : vector<1024x128xf32>
    %dot_general3A_5 = tpu.matmul %get3A_1, %get3A_4, %dot_general3A {dimension_numbers = #tpu.dot_dimension_numbers<[1], [0], [0], [1], [0, 0, 1, 1], [], []>, transpose_lhs_hint = false} : vector<1024x128xf32>, vector<128x128xf32>, vector<1024x128xf32> -> vector<1024x128xf32>
    %get3A_6 = arith.constant 0 : index
    %get3A_7 = vector.load %arg3[%get3A_6] : memref<128xf32, #tpu.memory_space<vmem>>, vector<128xf32>
    %broadcast_in_dim3A = vector.shape_cast %get3A_7 : vector<128xf32> to vector<1x128xf32>
    %add3A = vector.broadcast %broadcast_in_dim3A : vector<1x128xf32> to vector<1024x128xf32>
    %add3A_8 = arith.addf %dot_general3A_5, %add3A : vector<1024x128xf32>
    %gt3A = arith.constant 0.000000e+00 : f32
    %gt3A_9 = vector.broadcast %gt3A : f32 to vector<1024x128xf32>
    %gt3A_10 = arith.cmpf ogt, %add3A_8, %gt3A_9 : vector<1024x128xf32>
    %mul3A = arith.constant 0.00999999977 : f32
    %mul3A_11 = vector.broadcast %mul3A : f32 to vector<1024x128xf32>
    %mul3A_12 = arith.mulf %mul3A_11, %add3A_8 : vector<1024x128xf32>
    %select_n3A = arith.select %gt3A_10, %add3A_8, %mul3A_12 : vector<1024x128xi1>, vector<1024x128xf32>
    %get3A_13 = arith.constant 0 : index
    %get3A_14 = arith.constant 0 : index
    %get3A_15 = vector.load %arg4[%get3A_13, %get3A_14] : memref<128x128xf32, #tpu.memory_space<vmem>>, vector<128x128xf32>
    %dot_general3A_16 = arith.constant dense<0.000000e+00> : vector<1024x128xf32>
    %dot_general3A_17 = tpu.matmul %select_n3A, %get3A_15, %dot_general3A_16 {dimension_numbers = #tpu.dot_dimension_numbers<[1], [0], [0], [1], [0, 0, 1, 1], [], []>, transpose_lhs_hint = false} : vector<1024x128xf32>, vector<128x128xf32>, vector<1024x128xf32> -> vector<1024x128xf32>
    %get3A_18 = arith.constant 0 : index
    %get3A_19 = vector.load %arg5[%get3A_18] : memref<128xf32, #tpu.memory_space<vmem>>, vector<128xf32>
    %broadcast_in_dim3A_20 = vector.shape_cast %get3A_19 : vector<128xf32> to vector<1x128xf32>
    %add3A_21 = vector.broadcast %broadcast_in_dim3A_20 : vector<1x128xf32> to vector<1024x128xf32>
    %add3A_22 = arith.addf %dot_general3A_17, %add3A_21 : vector<1024x128xf32>
    %gt3A_23 = arith.constant 0.000000e+00 : f32
    %gt3A_24 = vector.broadcast %gt3A_23 : f32 to vector<1024x128xf32>
    %gt3A_25 = arith.cmpf ogt, %add3A_22, %gt3A_24 : vector<1024x128xf32>
    %mul3A_26 = arith.constant 0.00999999977 : f32
    %mul3A_27 = vector.broadcast %mul3A_26 : f32 to vector<1024x128xf32>
    %mul3A_28 = arith.mulf %mul3A_27, %add3A_22 : vector<1024x128xf32>
    %select_n3A_29 = arith.select %gt3A_25, %add3A_22, %mul3A_28 : vector<1024x128xi1>, vector<1024x128xf32>
    %get3A_30 = arith.constant 0 : index
    %get3A_31 = arith.constant 0 : index
    %get3A_32 = vector.load %arg6[%get3A_30, %get3A_31] : memref<128x128xf32, #tpu.memory_space<vmem>>, vector<128x128xf32>
    %dot_general3A_33 = arith.constant dense<0.000000e+00> : vector<1024x128xf32>
    %dot_general3A_34 = tpu.matmul %select_n3A_29, %get3A_32, %dot_general3A_33 {dimension_numbers = #tpu.dot_dimension_numbers<[1], [0], [0], [1], [0, 0, 1, 1], [], []>, transpose_lhs_hint = false} : vector<1024x128xf32>, vector<128x128xf32>, vector<1024x128xf32> -> vector<1024x128xf32>
    %get3A_35 = arith.constant 0 : index
    %get3A_36 = vector.load %arg7[%get3A_35] : memref<128xf32, #tpu.memory_space<vmem>>, vector<128xf32>
    %broadcast_in_dim3A_37 = vector.shape_cast %get3A_36 : vector<128xf32> to vector<1x128xf32>
    %add3A_38 = vector.broadcast %broadcast_in_dim3A_37 : vector<1x128xf32> to vector<1024x128xf32>
    %add3A_39 = arith.addf %dot_general3A_34, %add3A_38 : vector<1024x128xf32>
    %gt3A_40 = arith.constant 0.000000e+00 : f32
    %gt3A_41 = vector.broadcast %gt3A_40 : f32 to vector<1024x128xf32>
    %gt3A_42 = arith.cmpf ogt, %add3A_39, %gt3A_41 : vector<1024x128xf32>
    %mul3A_43 = arith.constant 0.00999999977 : f32
    %mul3A_44 = vector.broadcast %mul3A_43 : f32 to vector<1024x128xf32>
    %mul3A_45 = arith.mulf %mul3A_44, %add3A_39 : vector<1024x128xf32>
    %select_n3A_46 = arith.select %gt3A_42, %add3A_39, %mul3A_45 : vector<1024x128xi1>, vector<1024x128xf32>
    %swap3A = arith.constant 0 : index
    %swap3A_47 = arith.constant 0 : index
    %swap3A_48 = vector.load %arg8[%swap3A, %swap3A_47] : memref<1024x128xf32, #tpu.memory_space<vmem>>, vector<1024x128xf32>
    tpu.vector_store %arg8[%swap3A, %swap3A_47], %select_n3A_46 {strides = array<i32>} : memref<1024x128xf32, #tpu.memory_space<vmem>>, vector<1024x128xf32>,
    return
  }
  func.func @transform_0(%arg0: i32) -> (i32, i32) {
    %c0_i32 = arith.constant 0 : i32
    %c0_i32_0 = arith.constant 0 : i32
    return %arg0, %c0_i32 : i32, i32
  }
  func.func @transform_1(%arg0: i32) -> (i32, i32) {
    %c0_i32 = arith.constant 0 : i32
    %c0_i32_0 = arith.constant 0 : i32
    %c0_i32_1 = arith.constant 0 : i32
    return %c0_i32, %c0_i32_0 : i32, i32
  }
  func.func @transform_2(%arg0: i32) -> i32 {
    %c0_i32 = arith.constant 0 : i32
    %c0_i32_0 = arith.constant 0 : i32
    return %c0_i32 : i32
  }
  func.func @transform_3(%arg0: i32) -> (i32, i32) {
    %c0_i32 = arith.constant 0 : i32
    %c0_i32_0 = arith.constant 0 : i32
    %c0_i32_1 = arith.constant 0 : i32
    return %c0_i32, %c0_i32_0 : i32, i32
  }
  func.func @transform_4(%arg0: i32) -> i32 {
    %c0_i32 = arith.constant 0 : i32
    %c0_i32_0 = arith.constant 0 : i32
    return %c0_i32 : i32
  }
  func.func @transform_5(%arg0: i32) -> (i32, i32) {
    %c0_i32 = arith.constant 0 : i32
    %c0_i32_0 = arith.constant 0 : i32
    %c0_i32_1 = arith.constant 0 : i32
    return %c0_i32, %c0_i32_0 : i32, i32
  }
  func.func @transform_6(%arg0: i32) -> i32 {
    %c0_i32 = arith.constant 0 : i32
    %c0_i32_0 = arith.constant 0 : i32
    return %c0_i32 : i32
  }
  func.func @transform_7(%arg0: i32) -> (i32, i32) {
    %c0_i32 = arith.constant 0 : i32
    %c0_i32_0 = arith.constant 0 : i32
    return %arg0, %c0_i32 : i32, i32
  }
}

module attributes {stable_mosaic.version = 14 : i64} {
  func.func @_prep_body(%arg0: i32, %arg1: memref<2x1024xf32, #tpu.memory_space<vmem>>, %arg2: memref<1024x128xf32, #tpu.memory_space<vmem>>, %arg3: memref<1024x128xf32, #tpu.memory_space<vmem>>, %arg4: memref<1024x128xf32, #tpu.memory_space<vmem>>, %arg5: memref<1024xf32, #tpu.memory_space<vmem>>, %arg6: memref<1024xf32, #tpu.memory_space<vmem>>) attributes {dimension_semantics = [#tpu.dimension_semantics<arbitrary>], iteration_bounds = array<i64: 10>, scalar_prefetch = 0 : i64, scratch_operands = 0 : i64, tpu.core_type = #tpu.core_type<tc>, window_params = [{transform_indices = @transform_0, window_bounds = array<i64: 2, 1024>}, {transform_indices = @transform_1, window_bounds = array<i64: 1024, 128>}, {transform_indices = @transform_2, window_bounds = array<i64: 1024, 128>}, {transform_indices = @transform_3, window_bounds = array<i64: 1024, 128>}, {transform_indices = @transform_4, window_bounds = array<i64: 1024>}, {transform_indices = @transform_5, window_bounds = array<i64: 1024>}]} {
    %get3A = arith.constant 0 : index
    %get3A_0 = arith.constant 0 : index
    %get3A_1 = vector.load %arg1[%get3A, %get3A_0] : memref<2x1024xf32, #tpu.memory_space<vmem>>, vector<1x1024xf32>
    %get3A_2 = vector.shape_cast %get3A_1 : vector<1x1024xf32> to vector<1024xf32>
    %get3A_3 = arith.constant 1 : index
    %get3A_4 = arith.constant 0 : index
    %get3A_5 = vector.load %arg1[%get3A_3, %get3A_4] : memref<2x1024xf32, #tpu.memory_space<vmem>>, vector<1x1024xf32>
    %get3A_6 = vector.shape_cast %get3A_5 : vector<1x1024xf32> to vector<1024xf32>
    %add3A = arith.addf %get3A_2, %get3A_6 : vector<1024xf32>
    %add3A_7 = arith.constant 1.000000e+00 : f32
    %add3A_8 = vector.broadcast %add3A_7 : f32 to vector<1024xf32>
    %add3A_9 = arith.addf %add3A, %add3A_8 : vector<1024xf32>
    %rsqrt3A = math.rsqrt %add3A_9 : vector<1024xf32>
    %get3A_10 = arith.constant 0 : index
    %get3A_11 = arith.constant 0 : index
    %get3A_12 = vector.load %arg2[%get3A_10, %get3A_11] : memref<1024x128xf32, #tpu.memory_space<vmem>>, vector<1024x128xf32>
    %mul3A = arith.mulf %add3A_9, %rsqrt3A : vector<1024xf32>
    %broadcast_in_dim3A = vector.shape_cast %mul3A : vector<1024xf32> to vector<1024x1xf32>
    %mul3A_13 = arith.constant 0.111111112 : f32
    %mul3A_14 = vector.broadcast %mul3A_13 : f32 to vector<1024x1xf32>
    %mul3A_15 = arith.mulf %mul3A_14, %broadcast_in_dim3A : vector<1024x1xf32>
    %mul3A_16 = vector.broadcast %mul3A_15 : vector<1024x1xf32> to vector<1024x128xf32>
    %mul3A_17 = arith.mulf %mul3A_16, %get3A_12 : vector<1024x128xf32>
    %swap3A = arith.constant 0 : index
    %swap3A_18 = arith.constant 0 : index
    %swap3A_19 = vector.load %arg4[%swap3A, %swap3A_18] : memref<1024x128xf32, #tpu.memory_space<vmem>>, vector<1024x128xf32>
    tpu.vector_store %arg4[%swap3A, %swap3A_18], %mul3A_17 {strides = array<i32>} : memref<1024x128xf32, #tpu.memory_space<vmem>>, vector<1024x128xf32>,
    %broadcast_in_dim3A_20 = vector.shape_cast %rsqrt3A : vector<1024xf32> to vector<1024x1xf32>
    %mul3A_21 = vector.broadcast %broadcast_in_dim3A_20 : vector<1024x1xf32> to vector<1024x128xf32>
    %mul3A_22 = arith.mulf %mul3A_21, %get3A_12 : vector<1024x128xf32>
    %swap3A_23 = arith.constant 0 : index
    %swap3A_24 = arith.constant 0 : index
    %swap3A_25 = vector.load %arg3[%swap3A_23, %swap3A_24] : memref<1024x128xf32, #tpu.memory_space<vmem>>, vector<1024x128xf32>
    tpu.vector_store %arg3[%swap3A_23, %swap3A_24], %mul3A_22 {strides = array<i32>} : memref<1024x128xf32, #tpu.memory_space<vmem>>, vector<1024x128xf32>,
    %div3A = arith.constant 0.899999976 : f32
    %div3A_26 = vector.broadcast %div3A : f32 to vector<1024xf32>
    %div3A_27 = arith.divf %div3A_26, %add3A_9 : vector<1024xf32>
    %swap3A_28 = arith.constant 0 : index
    %swap3A_29 = vector.load %arg5[%swap3A_28] : memref<1024xf32, #tpu.memory_space<vmem>>, vector<1024xf32>
    tpu.vector_store %arg5[%swap3A_28], %div3A_27 {strides = array<i32>} : memref<1024xf32, #tpu.memory_space<vmem>>, vector<1024xf32>,
    %sqrt3A = math.sqrt %add3A_9 : vector<1024xf32>
    %swap3A_30 = arith.constant 0 : index
    %swap3A_31 = vector.load %arg6[%swap3A_30] : memref<1024xf32, #tpu.memory_space<vmem>>, vector<1024xf32>
    tpu.vector_store %arg6[%swap3A_30], %sqrt3A {strides = array<i32>} : memref<1024xf32, #tpu.memory_space<vmem>>, vector<1024xf32>,
    return
  }
  func.func @transform_0(%arg0: i32) -> (i32, i32) {
    %c0_i32 = arith.constant 0 : i32
    %c0_i32_0 = arith.constant 0 : i32
    return %c0_i32, %arg0 : i32, i32
  }
  func.func @transform_1(%arg0: i32) -> (i32, i32) {
    %c0_i32 = arith.constant 0 : i32
    %c0_i32_0 = arith.constant 0 : i32
    return %arg0, %c0_i32 : i32, i32
  }
  func.func @transform_2(%arg0: i32) -> (i32, i32) {
    %c0_i32 = arith.constant 0 : i32
    %c0_i32_0 = arith.constant 0 : i32
    return %arg0, %c0_i32 : i32, i32
  }
  func.func @transform_3(%arg0: i32) -> (i32, i32) {
    %c0_i32 = arith.constant 0 : i32
    %c0_i32_0 = arith.constant 0 : i32
    return %arg0, %c0_i32 : i32, i32
  }
  func.func @transform_4(%arg0: i32) -> i32 {
    %c0_i32 = arith.constant 0 : i32
    return %arg0 : i32
  }
  func.func @transform_5(%arg0: i32) -> i32 {
    %c0_i32 = arith.constant 0 : i32
    return %arg0 : i32
  }
}

module attributes {stable_mosaic.version = 14 : i64} {
  func.func @_update_body(%arg0: i32, %arg1: memref<2x1024x128xf32, #tpu.memory_space<vmem>>, %arg2: memref<1024xf32, #tpu.memory_space<vmem>>, %arg3: memref<1024x128xf32, #tpu.memory_space<vmem>>) attributes {dimension_semantics = [#tpu.dimension_semantics<arbitrary>], iteration_bounds = array<i64: 10>, scalar_prefetch = 0 : i64, scratch_operands = 0 : i64, tpu.core_type = #tpu.core_type<tc>, window_params = [{transform_indices = @transform_0, window_bounds = array<i64: 2, 1024, 128>}, {transform_indices = @transform_1, window_bounds = array<i64: 1024>}, {transform_indices = @transform_2, window_bounds = array<i64: 1024, 128>}]} {
    %get3A = arith.constant 0 : index
    %get3A_0 = vector.load %arg2[%get3A] : memref<1024xf32, #tpu.memory_space<vmem>>, vector<1024xf32>
    %broadcast_in_dim3A = vector.shape_cast %get3A_0 : vector<1024xf32> to vector<1024x1xf32>
    %get3A_1 = arith.constant 0 : index
    %get3A_2 = arith.constant 0 : index
    %get3A_3 = arith.constant 0 : index
    %get3A_4 = vector.load %arg1[%get3A_1, %get3A_2, %get3A_3] : memref<2x1024x128xf32, #tpu.memory_space<vmem>>, vector<1x1024x128xf32>
    %get3A_5 = vector.shape_cast %get3A_4 : vector<1x1024x128xf32> to vector<1024x128xf32>
    %get3A_6 = arith.constant 1 : index
    %get3A_7 = arith.constant 0 : index
    %get3A_8 = arith.constant 0 : index
    %get3A_9 = vector.load %arg1[%get3A_6, %get3A_7, %get3A_8] : memref<2x1024x128xf32, #tpu.memory_space<vmem>>, vector<1x1024x128xf32>
    %get3A_10 = vector.shape_cast %get3A_9 : vector<1x1024x128xf32> to vector<1024x128xf32>
    %add3A = arith.addf %get3A_5, %get3A_10 : vector<1024x128xf32>
    %mul3A = vector.broadcast %broadcast_in_dim3A : vector<1024x1xf32> to vector<1024x128xf32>
    %mul3A_11 = arith.mulf %mul3A, %add3A : vector<1024x128xf32>
    %swap3A = arith.constant 0 : index
    %swap3A_12 = arith.constant 0 : index
    %swap3A_13 = vector.load %arg3[%swap3A, %swap3A_12] : memref<1024x128xf32, #tpu.memory_space<vmem>>, vector<1024x128xf32>
    tpu.vector_store %arg3[%swap3A, %swap3A_12], %mul3A_11 {strides = array<i32>} : memref<1024x128xf32, #tpu.memory_space<vmem>>, vector<1024x128xf32>,
    return
  }
  func.func @transform_0(%arg0: i32) -> (i32, i32, i32) {
    %c0_i32 = arith.constant 0 : i32
    %c0_i32_0 = arith.constant 0 : i32
    %c0_i32_1 = arith.constant 0 : i32
    return %c0_i32, %arg0, %c0_i32_0 : i32, i32, i32
  }
  func.func @transform_1(%arg0: i32) -> i32 {
    %c0_i32 = arith.constant 0 : i32
    return %arg0 : i32
  }
  func.func @transform_2(%arg0: i32) -> (i32, i32) {
    %c0_i32 = arith.constant 0 : i32
    %c0_i32_0 = arith.constant 0 : i32
    return %arg0, %c0_i32 : i32, i32
  }
}

module attributes {stable_mosaic.version = 14 : i64} {
  func.func @_final_body(%arg0: i32, %arg1: memref<1024x128xf32, #tpu.memory_space<vmem>>, %arg2: memref<1024xf32, #tpu.memory_space<vmem>>, %arg3: memref<128x64xf32, #tpu.memory_space<vmem>>, %arg4: memref<64xf32, #tpu.memory_space<vmem>>, %arg5: memref<1024x64xf32, #tpu.memory_space<vmem>>) attributes {dimension_semantics = [#tpu.dimension_semantics<arbitrary>], iteration_bounds = array<i64: 10>, scalar_prefetch = 0 : i64, scratch_operands = 0 : i64, tpu.core_type = #tpu.core_type<tc>, window_params = [{transform_indices = @transform_0, window_bounds = array<i64: 1024, 128>}, {transform_indices = @transform_1, window_bounds = array<i64: 1024>}, {pipeline_mode = #tpu.pipeline_mode<synchronous>, transform_indices = @transform_2, window_bounds = array<i64: 128, 64>}, {pipeline_mode = #tpu.pipeline_mode<synchronous>, transform_indices = @transform_3, window_bounds = array<i64: 64>}, {transform_indices = @transform_4, window_bounds = array<i64: 1024, 64>}]} {
    %get3A = arith.constant 0 : index
    %get3A_0 = arith.constant 0 : index
    %get3A_1 = vector.load %arg1[%get3A, %get3A_0] : memref<1024x128xf32, #tpu.memory_space<vmem>>, vector<1024x128xf32>
    %get3A_2 = arith.constant 0 : index
    %get3A_3 = vector.load %arg2[%get3A_2] : memref<1024xf32, #tpu.memory_space<vmem>>, vector<1024xf32>
    %broadcast_in_dim3A = vector.shape_cast %get3A_3 : vector<1024xf32> to vector<1024x1xf32>
    %mul3A = vector.broadcast %broadcast_in_dim3A : vector<1024x1xf32> to vector<1024x128xf32>
    %mul3A_4 = arith.mulf %get3A_1, %mul3A : vector<1024x128xf32>
    %get3A_5 = arith.constant 0 : index
    %get3A_6 = arith.constant 0 : index
    %get3A_7 = vector.load %arg3[%get3A_5, %get3A_6] : memref<128x64xf32, #tpu.memory_space<vmem>>, vector<128x64xf32>
    %dot_general3A = arith.constant dense<0.000000e+00> : vector<1024x64xf32>
    %dot_general3A_8 = tpu.matmul %mul3A_4, %get3A_7, %dot_general3A {dimension_numbers = #tpu.dot_dimension_numbers<[1], [0], [0], [1], [0, 0, 1, 1], [], []>, transpose_lhs_hint = false} : vector<1024x128xf32>, vector<128x64xf32>, vector<1024x64xf32> -> vector<1024x64xf32>
    %get3A_9 = arith.constant 0 : index
    %get3A_10 = vector.load %arg4[%get3A_9] : memref<64xf32, #tpu.memory_space<vmem>>, vector<64xf32>
    %broadcast_in_dim3A_11 = vector.shape_cast %get3A_10 : vector<64xf32> to vector<1x64xf32>
    %add3A = vector.broadcast %broadcast_in_dim3A_11 : vector<1x64xf32> to vector<1024x64xf32>
    %add3A_12 = arith.addf %dot_general3A_8, %add3A : vector<1024x64xf32>
    %swap3A = arith.constant 0 : index
    %swap3A_13 = arith.constant 0 : index
    %swap3A_14 = vector.load %arg5[%swap3A, %swap3A_13] : memref<1024x64xf32, #tpu.memory_space<vmem>>, vector<1024x64xf32>
    tpu.vector_store %arg5[%swap3A, %swap3A_13], %add3A_12 {strides = array<i32>} : memref<1024x64xf32, #tpu.memory_space<vmem>>, vector<1024x64xf32>,
    return
  }
  func.func @transform_0(%arg0: i32) -> (i32, i32) {
    %c0_i32 = arith.constant 0 : i32
    %c0_i32_0 = arith.constant 0 : i32
    return %arg0, %c0_i32 : i32, i32
  }
  func.func @transform_1(%arg0: i32) -> i32 {
    %c0_i32 = arith.constant 0 : i32
    return %arg0 : i32
  }
  func.func @transform_2(%arg0: i32) -> (i32, i32) {
    %c0_i32 = arith.constant 0 : i32
    %c0_i32_0 = arith.constant 0 : i32
    %c0_i32_1 = arith.constant 0 : i32
    return %c0_i32, %c0_i32_0 : i32, i32
  }
  func.func @transform_3(%arg0: i32) -> i32 {
    %c0_i32 = arith.constant 0 : i32
    %c0_i32_0 = arith.constant 0 : i32
    return %c0_i32 : i32
  }
  func.func @transform_4(%arg0: i32) -> (i32, i32) {
    %c0_i32 = arith.constant 0 : i32
    %c0_i32_0 = arith.constant 0 : i32
    return %arg0, %c0_i32 : i32, i32
  }
}

</mosaic_0001>

<sc_bundles>
// kernel: closed_call.9.cloned.1.call-start
scs
__scs_entry_jumppad:
0x0: {  	(pc) =	sbr.rel $0x88, $3  }
0x1: {  	(tag) =	ssettag $0x0;
	lr =	simm.s32 $0x1  }
0x2: {  	[smem:$0x3F97] =	sst lr;
	_ =	strace $0xD0000000  }
0x3: {  	_ = 	snop  }
0x4: {  	_ = 	snop  }
0x5: {  	_ = 	snop  }
0x6: {  	_ = 	snop  }
0x7: {  	_ = 	snop  }
__scs_overlays_trampoline_lowered:
0x8: {  	[smem:$0x3FA6] =	sst s0  }
0x9: {  	[smem:$0x3FA7] =	sst s1  }
0xa: {  	[smem:$0x3FA8] =	sst s2  }
0xb: {  	[smem:$0x3FA9] =	sst s3  }
0xc: {  	[smem:$0x3FAA] =	sst s4  }
0xd: {  	[smem:$0x3FAB] =	sst s5  }
0xe: {  	[smem:$0x3FAC] =	sst s6  }
0xf: {  	[smem:$0x3FAD] =	sst s7  }
0x10: {  	[smem:$0x3FAE] =	sst s8  }
0x11: {  	[smem:$0x3FAF] =	sst s9;
	s0 =	simm.s32 @!p0 $0x0  }
0x12: {  	s1 =	sld [smem:$0x3F95];
	s0 =	simm.s32 @p0 $0x1  }
0x13: {  	[smem:$0x3FB0] =	sst s0;
	s0 =	simm.s32 @!p1 $0x0  }
0x14: {  	s2 =	sld [smem:$0x3F94];
	s0 =	simm.s32 @p1 $0x1  }
0x15: {  	[smem:$0x3FB1] =	sst s0;
	s0 =	simm.s32 @!p2 $0x0  }
0x16: {  	s3 =	sld [smem:$0x3FDB];
	s0 =	simm.s32 @p2 $0x1  }
0x17: {  	s4 =	simm.s32 $0x1BF5;
	[smem:$0x3FB3] =	sst s0  }
0x18: {  	s0 =	sld [smem:$0x3F96];
	_ =	swait.ge [sflag:s4], $0x0  }
0x19: {  	s7 =	sld [smem:$0x3F97]  }
0x1a: {  	s8 =	sadd.s32 $0xFFFFE003, lr  }
0x1b: {  	s9 =	sadd.s32 $0xFFFFFEF7, lr;
	s5 =	simm.s32 $0xFFFFFFFF;
	p2 =	slt.u32 s8, $0xFFFFF086  }
0x1c: {  	p1 =	slt.u32 s9, $0xF7A;
	s5 =	simm.s32 @!p2 $0x0  }
0x1d: {  	s5 =	simm.s32 @p1 $0x1;
	p0 =	seq.s32 s7, s2  }
0x1e: {  	s7 =	smul.u32 @!p0 $0xF7A, s2;
	p2 =	seq.s32 @!p0 s5, $0x0  }
0x1f: {  	s9 =	smul.u32 $0xF7A, s1;
	s8 =	simm.s32 @!p0 $0x1BF5;
	p2 =	por !p2, p0  }
0x20: {  	[sflag:s8] =	ssyncset.s32 @!p0 $0xFFFFF086;
	s6 =	sadd.s32 @!p0 s3, s7;
	s7 =	simm.s32 @!p0 $0x108  }
0x21: {  	s3 =	sadd.s32 s3, s9;
	s6 =	sadd.s32 @!p0 $0x88, s6;
	s7 =	simm.s32 @p2 $0x1082  }
0x22: {  	[simem:s7], [sflag:s8] =	dma.local @!p0 [hbm:s6], $0xF7A  }
0x23: {  	s9 =	sor.u32 $0xD0000000, s2;
	s6 =	simm.s32 $0x108;
	_ =	swait.ge @!p0 [sflag:s8], $0x0  }
0x24: {  	s3 =	sadd.s32 $0x88, s3;
	s6 =	simm.s32 @!p1 $0x1082;
	[sflag:s4] =	ssyncset.s32 $0xFFFFF086  }
0x25: {  	[simem:s6], [sflag:s4] =	dma.local [hbm:s3], $0xF7A  }
0x26: {  	[smem:$0x3F97] =	sst s1;
	(tag) =	ssettag s2;
	_ =	strace s9  }
0x27: {  	s1 =	sld [smem:$0x3FA7]  }
0x28: {  	s2 =	sld [smem:$0x3FA8]  }
0x29: {  	s4 =	sld [smem:$0x3FAA]  }
0x2a: {  	p0 =	seq.s32 s5, $0x0;
	s5 =	sld [smem:$0x3FAB]  }
0x2b: {  	s6 =	sld [smem:$0x3FAC]  }
0x2c: {  	s7 =	sld [smem:$0x3FAD]  }
0x2d: {  	s3 =	simm.s32 $0x108;
	s8 =	sld [smem:$0x3FAE]  }
0x2e: {  	s3 =	simm.s32 @!p0 $0x1082;
	s9 =	sld [smem:$0x3FAF]  }
0x2f: {  	lr =	sadd.s32 s0, s3;
	s0 =	sld [smem:$0x3FA6]  }
0x30: {  	s3 =	sld [smem:$0x3FA9]  }
0x31: {  	[smem:$0x3FB2] =	sst s10  }
0x32: {  	s10 =	sld [smem:$0x3FB0];
	_ =	sdelay $0x3  }
0x33: {  	p0 =	seq.s32 s10, $0x1;
	s10 =	sld [smem:$0x3FB2];
	_ =	sdelay $0x3  }
0x34: {  	[smem:$0x3FB2] =	sst s10  }
0x35: {  	s10 =	sld [smem:$0x3FB1];
	_ =	sdelay $0x3  }
0x36: {  	p1 =	seq.s32 s10, $0x1;
	s10 =	sld [smem:$0x3FB2];
	_ =	sdelay $0x3  }
0x37: {  	[smem:$0x3FB2] =	sst s10  }
0x38: {  	s10 =	sld [smem:$0x3FB3]  }
0x39: {  	_ = 	snop;
	(pc) =	sbr.ind lr, $3  }
0x3a: {  	_ = 	snop  }
0x3b: {  	_ = 	snop  }
0x3c: {  	p2 =	seq.s32 s10, $0x1;
	s10 =	sld [smem:$0x3FB2]  }
0x3d: {  	_ =	shalt  }
0x3e: {  	_ =	shalt  }
0x3f: {  	_ =	shalt  }
0x40: {  	_ =	shalt  }
0x41: {  	_ =	shalt  }
0x42: {  	_ =	shalt  }
0x43: {  	_ =	shalt  }
0x44: {  	_ =	shalt  }
0x45: {  	_ =	shalt  }
0x46: {  	_ =	shalt  }
0x47: {  	_ =	shalt  }
0x48: {  	_ =	shalt  }
0x49: {  	_ =	shalt  }
0x4a: {  	_ =	shalt  }
0x4b: {  	_ =	shalt  }
0x4c: {  	_ =	shalt  }
0x4d: {  	_ =	shalt  }
0x4e: {  	_ =	shalt  }
0x4f: {  	_ =	shalt  }
0x50: {  	_ =	shalt  }
0x51: {  	_ =	shalt  }
0x52: {  	_ =	shalt  }
0x53: {  	_ =	shalt  }
0x54: {  	_ =	shalt  }
0x55: {  	_ =	shalt  }
0x56: {  	_ =	shalt  }
0x57: {  	_ =	shalt  }
0x58: {  	_ =	shalt  }
0x59: {  	_ =	shalt  }
0x5a: {  	_ =	shalt  }
0x5b: {  	_ =	shalt  }
0x5c: {  	_ =	shalt  }
0x5d: {  	_ =	shalt  }
0x5e: {  	_ =	shalt  }
0x5f: {  	_ =	shalt  }
0x60: {  	_ =	shalt  }
0x61: {  	_ =	shalt  }
0x62: {  	_ =	shalt  }
0x63: {  	_ =	shalt  }
0x64: {  	_ =	shalt  }
0x65: {  	_ =	shalt  }
0x66: {  	_ =	shalt  }
0x67: {  	_ =	shalt  }
0x68: {  	_ =	shalt  }
0x69: {  	_ =	shalt  }
0x6a: {  	_ =	shalt  }
0x6b: {  	_ =	shalt  }
0x6c: {  	_ =	shalt  }
0x6d: {  	_ =	shalt  }
0x6e: {  	_ =	shalt  }
0x6f: {  	_ =	shalt  }
0x70: {  	_ =	shalt  }
0x71: {  	_ =	shalt  }
0x72: {  	_ =	shalt  }
0x73: {  	_ =	shalt  }
0x74: {  	_ =	shalt  }
0x75: {  	_ =	shalt  }
0x76: {  	_ =	shalt  }
0x77: {  	_ =	shalt  }
0x78: {  	_ =	shalt  }
0x79: {  	_ =	shalt  }
0x7a: {  	_ =	shalt  }
0x7b: {  	_ =	shalt  }
0x7c: {  	_ =	shalt  }
0x7d: {  	_ =	shalt  }
0x7e: {  	_ =	shalt  }
0x7f: {  	_ =	shalt  }
0x80: {  	_ =	shalt  }
0x81: {  	_ =	shalt  }
0x82: {  	_ =	shalt  }
0x83: {  	_ =	shalt  }
0x84: {  	_ =	shalt  }
0x85: {  	_ =	shalt  }
0x86: {  	_ =	shalt  }
0x87: {  	_ =	shalt  }
.Lfunc_end0:
.L_simem_size_0:
called_computation_lowered:
.L_overlay_start_0:
0x88: {  	s2 =	sld [smem:$0x3FD9]  }
0x89: {  	s3 =	sld [smem:$0x3FFE];
	_ =	sdelay $0x1  }
0x8a: {  	s1 =	srdreg.scid  }
0x8b: {  	s0 =	sand.u32 $0x1, s1  }
0x8c: {  	s16 =	sshll.u32 s0, $0xA;
	s2 =	sadd.s32 s3, s2  }
0x8d: {  	s2 =	sadd.s32 s2, s16  }
0x8e: {  	[smem:$0x3FBE] =	sst s2  }
0x8f: {  	_ = 	snop  }
0x90: {  	(tm) =	ssettm $0x1  }
0x91: {  	s17 =	sld [smem:$0x3FFB];
	_ =	sdelay $0x3  }
0x92: {  	_ =	strace s17  }
0x93: {  	s2 =	sld [smem:$0x3FFC];
	_ =	sdelay $0x3  }
0x94: {  	_ =	strace s2  }
0x95: {  	s2 =	sld [smem:$0x3FFD];
	_ =	sdelay $0x3  }
0x96: {  	_ =	strace s2  }
0x97: {  	_ =	strace $0x8FFFFFFF  }
0x98: {  	s18 =	sld [smem:$0x3FDB];
	_ =	sdelay $0x1  }
0x99: {  	s19 =	simm.s32 $_scs_section_size  }
0x9a: {  	s4 =	simm.s32 $_size__tile_overlayer_lowered;
	s5 =	simm.s32 $_tile_overlayer_lowered  }
0x9b: {  	s22 =	simm.s32 $0x1BFF;
	s21 =	sshll.u32 s5, $0x1;
	s2 =	sadd.s32 s19, s18  }
0x9c: {  	s6 =	simm.s32 $0x0;
	s20 =	sshll.u32 s4, $0x1;
	s4 =	sadd.s32 s21, s2  }
0x9d: {  	[timem:s6], [sflag:s22] =	dma.local [hbm:s4], s20  }
0x9e: {  	_ =	swait.ge [sflag:s22], s20  }
0x9f: {  	s3 =	ssub.s32 $0x0, s20;
	[sflag:s22] =	ssyncset.done $0x0  }
0xa0: {  	[sflag:s22] =	ssyncadd.s32 s3;
	_ =	sdelay $0x1  }
0xa1: {  	s23 =	simm.s32 $0x1B8B  }
0xa2: {  	_ =	swait.ge [sflag:s23], $0x1  }
0xa3: {  	[sflag:s23] =	ssyncset.done $0x0  }
0xa4: {  	s25 =	simm.s32 $0x1B8E;
	s24 =	sld [smem:$0x3FFE];
	[sflag:s23] =	ssyncadd.s32 $0xFFFFFFFF  }
0xa5: {  	s26 =	simm.s32 $execute0_lowered;
	[smem:$0x3FD2] =	sst s25  }
0xa6: {  	s4 =	sshll.u32 s26, $0x1;
	_ =	strace $0x80000049;
	[dreg:$0x1] =	wrdreg $0xFFFFFFFF  }
0xa7: {  	s28 =	simm.s32 $_size_execute0_lowered;
	s2 =	sadd.s32 s2, s4;
	[dreg:$0x0] =	wrdreg $0x0  }
0xa8: {  	s4 =	sshll.u32 s28, $0x1;
	[dreg:$0x2] =	wrdreg s2  }
0xa9: {  	[dreg:$0x3] =	wrdreg s4  }
0xaa: {  	[dreg:$0x4] =	wrdreg $0xC0  }
0xab: {  	_ =	task [dreg:s6], $0x5FFFF  }
0xac: {  	[dreg:$0x1] =	wrdreg $0xFFFFFFFF  }
0xad: {  	[dreg:$0x0] =	wrdreg $0x60  }
0xae: {  	[dreg:$0x2] =	wrdreg s24  }
0xaf: {  	[dreg:$0x3] =	wrdreg $0x0  }
0xb0: {  	[dreg:$0x4] =	wrdreg $0x9  }
0xb1: {  	_ =	task.clear_ibuf [dreg:s6], $0x5FFFF;
	_ =	strace $0x90000049  }
0xb2: {  	s29 =	simm.s32 $0x9;
	_ =	strace $0x8000004B  }
0xb3: {  	_ =	swait.ge [sflag:s29], $0x1  }
0xb4: {  	[sflag:s29] =	ssyncadd.s32 $0xFFFFFFFF  }
0xb5: {  	_ =	strace $0x9000004B  }
0xb6: {  	_ =	sfence  }
0xb7: {  	s30 =	sld [smem:$0x0];
	_ =	sdelay $0x2  }
0xb8: {  	s31 =	sshll.u32 s1, $0xD;
	s1 =	sshrl.u32 s1, $0x2  }
0xb9: {  	s3 =	sand.u32 $0x4000, s31;
	s1 =	sadd.s32 s1, s30  }
0xba: {  	s0 =	sor.u32 s3, s0;
	s1 =	sshll.u32 s1, $0x11  }
0xbb: {  	s0 =	sor.u32 s1, s0  }
0xbc: {  	s0 =	sadd.s32 $0x8F2B, s0  }
0xbd: {  	[sflag:s0] =	ssyncadd.remote.s32 $0x1  }
0xbe: {  	_ =	sfence.sel $0xFFFF  }
0xbf: {  	[dreg:$0x0] =	wrdreg $0xFFFFFFFF;
	(pc) =	sbr.abs _section_cstart, $3  }
0xc0: {  	[dreg:$0x1] =	wrdreg $0xFFFFFFFF  }
0xc1: {  	_ =	task.clear_ibuf [dreg:s6], $0x2FFFF;
	_ =	strace $0x9FFFFFFF  }
0xc2: {  	(tm) =	ssettm $0x7FFFFFFF  }
0xc3: {  	_ =	shalt  }
tec
execute0_lowered:
.L_overlay_start_1:
0x0: {  	(tag) =	ssettag $0x1  }
0x1: {  	s0 =	rddreg [dreg:$0x0]  }
0x2: {  	s1 =	rddreg [dreg:$0x1]  }
0x3: {  	s3 =	simm.s32 $0x0;
	s2 =	srdreg.scid;
	s16 =	stileid.u32  }
0x4: {  	[smem:$0x7FF] =	sst s3;
	s2 =	sand.u32 $0x1, s2;
	s8 =	smul.u32 $0x14000, s16  }
0x5: {  	s4 =	sadd.s32 $0x2CC00, s0;
	s5 =	sadd.s32 $0x54C00, s0;
	s11 =	smul.u32 $0x50000, s16  }
0x6: {  	s6 =	sadd.s32 $0x6FC00, s0;
	s9 =	sadd.s32 $0x4C00, s0;
	s7 =	smul.u32 $0x140000, s2  }
0x7: {  	_ =	strace $0x8000004A;
	s25 =	sshll.u32 s2, $0x4;
	s10 =	ssub.s32 $0x2, s2  }
0x8: {  	s13 =	sshrl.u32 s10, $0x1;
	s7 =	sadd.s32 s8, s7;
	s8 =	sor.u32 s16, s25  }
0x9: {  	s26 =	sshrl.u32 s11, $0x2;
	s12 =	sshrl.u32 s7, $0x3;
	s7 =	smul.u32 $0x6C00, s8  }
0xa: {  	p0 =	seq.s32 s2, $0x0;
	s28 =	sadd.s32 s26, s1;
	s8 =	ssub.s32 s10, s13  }
0xb: {  	[dreg:$0x3] =	wrdreg s28;
	s0 =	sadd.s32 s12, s0;
	s29 =	sshrl.u32 s7, $0x3  }
0xc: {  	s0 =	sadd.s32 $0x8AC00, s0;
	s30 =	sor.u32 $0x10, s29;
	s31 =	sor.u32 $0x20, s29  }
0xd: {  	s17 =	sadd.s32 s5, s29;
	s20 =	sor.u32 $0x30, s29;
	[dreg:$0x11] =	wrdreg s0  }
0xe: {  	s14 =	sor.u32 $0x40, s29;
	s2 =	sadd.s32 s6, s29;
	[dreg:$0x4] =	wrdreg s17  }
0xf: {  	s15 =	sor.u32 $0x50, s29;
	s29 =	smax.u32 s8, $0x1;
	[dreg:$0xb] =	wrdreg s2  }
0x10: {  	s18 =	sadd.s32 s5, s30;
	[dreg:$0x12] =	wrdreg s29  }
0x11: {  	s19 =	sadd.s32 s5, s31;
	[dreg:$0x5] =	wrdreg s18  }
0x12: {  	s21 =	sadd.s32 s5, s14;
	[dreg:$0x6] =	wrdreg s19  }
0x13: {  	s22 =	sadd.s32 s5, s15;
	[dreg:$0x8] =	wrdreg s21  }
0x14: {  	s17 =	sadd.s32 $0x60, s17;
	[dreg:$0x9] =	wrdreg s22  }
0x15: {  	s23 =	sadd.s32 s6, s30;
	[dreg:$0xa] =	wrdreg s17  }
0x16: {  	s24 =	sadd.s32 s6, s31;
	[dreg:$0xc] =	wrdreg s23  }
0x17: {  	s10 =	smul.u32 $0x2800, s16;
	s25 =	sadd.s32 s6, s20;
	[dreg:$0xd] =	wrdreg s24  }
0x18: {  	s9 =	smov.u32 @p0 s4;
	s26 =	sadd.s32 s6, s14;
	[dreg:$0xe] =	wrdreg s25  }
0x19: {  	s28 =	sadd.s32 s6, s15;
	s30 =	sadd.s32 s9, s10;
	[dreg:$0xf] =	wrdreg s26  }
0x1a: {  	s31 =	sshll.u32 s16, $0x6;
	s10 =	simm.s32 $0x30;
	[dreg:$0x10] =	wrdreg s28  }
0x1b: {  	s18 =	sadd.s32 s5, s20;
	[dreg:$0x13] =	wrdreg s30;
	s25 =	sor.u32 $0x1C1E, s31  }
0x1c: {  	s26 =	simm.s32 $0x1E;
	s19 =	simm.s32 $0x1A;
	s20 =	simm.s32 $0x1B  }
0x1d: {  	s21 =	simm.s32 $0x1C;
	s22 =	simm.s32 $0x0;
	[dreg:$0x7] =	wrdreg s18  }
.LBB2_1:
0x1e: {  	s0 =	rddreg [dreg:$0x3]  }
0x1f: {  	s9 =	rddreg [dreg:$0x13];
	s28 =	sshrl.u32 s0, $0x3  }
0x20: {  	[spmem:s28], [sflag:s25] =	dma.local [hbm:s9], $0x2800  }
0x21: {  	_ =	swait.ge [sflag:s26], $0x2800  }
0x22: {  	[sflag:s26] =	ssyncset.done $0x0  }
0x23: {  	[sflag:s26] =	ssyncadd.s32 $0xFFFFD800  }
0x24: {  	[bflag:$0x0] =	sbarrier.arrive $0xFFFF  }
0x25: {  	s2 =	simm.s32 $0x14000;
	s11 =	rddreg [dreg:$0x4]  }
0x26: {  	[tilespmem:s2], [sflag:$0x1] =	stream.linear.gather [hbm4b:s11+s3], $0x80, $0x38;
	[tilespmem:$0x1F000] =	vst v63  }
0x27: {  	s8 =	simm.s32 $0x14080;
	s12 =	rddreg [dreg:$0x5]  }
0x28: {  	[tilespmem:s8], [sflag:$0x2] =	stream.linear.gather [hbm4b:s12+s3], $0x80, $0x38;
	[tilespmem:$0x1F000] =	vst v63  }
0x29: {  	s9 =	simm.s32 $0x14100;
	s13 =	rddreg [dreg:$0x6]  }
0x2a: {  	[tilespmem:s9], [sflag:$0x3] =	stream.linear.gather [hbm4b:s13+s3], $0x80, $0x38;
	[tilespmem:$0x1F000] =	vst v63  }
0x2b: {  	s14 =	rddreg [dreg:$0x7];
	s11 =	simm.s32 $0x14180  }
0x2c: {  	[tilespmem:s11], [sflag:$0x4] =	stream.linear.gather [hbm4b:s14+s3], $0x80, $0x38;
	[tilespmem:$0x1F000] =	vst v63  }
0x2d: {  	s15 =	rddreg [dreg:$0x8];
	s12 =	simm.s32 $0x14200  }
0x2e: {  	[tilespmem:s12], [sflag:$0x5] =	stream.linear.gather [hbm4b:s15+s3], $0x80, $0x38;
	[tilespmem:$0x1F000] =	vst v63  }
0x2f: {  	s16 =	rddreg [dreg:$0x9];
	s13 =	simm.s32 $0x14280  }
0x30: {  	[tilespmem:s13], [sflag:$0x6] =	stream.linear.gather [hbm4b:s16+s3], $0x80, $0x38;
	[tilespmem:$0x1F000] =	vst v63  }
0x31: {  	s17 =	rddreg [dreg:$0xa];
	s14 =	simm.s32 $0x14300  }
0x32: {  	[tilespmem:s14], [sflag:$0x7] =	stream.linear.gather [hbm4b:s17+s3], $0x80, $0x38;
	[tilespmem:$0x1F000] =	vst v63  }
0x33: {  	s23 =	simm.s32 $0x14400;
	s24 =	simm.s32 $0x1;
	s18 =	rddreg [dreg:$0xb]  }
0x34: {  	[tilespmem:s23], [sflag:$0x10] =	stream.linear.gather [hbm4b:s18+s3], $0x80, $0x38;
	[tilespmem:$0x1F000] =	vst v63  }
0x35: {  	_ =	swait.ge [sflag:s24], $0x80  }
0x36: {  	[sflag:s24] =	ssyncset.done $0x0  }
0x37: {  	s14 =	simm.s32 $0x14800;
	[sflag:s24] =	ssyncadd.s32 $0xFFFFFF80  }
0x38: {  	[tilespmem:s14], [sflag:$0x9] =	stream.indirect.gather [hbm4b:s4+s10], $0x80, s2, s10, $0xb8;
	[tilespmem:$0x1F000] =	vst v63  }
0x39: {  	s16 =	simm.s32 $0x14480;
	s17 =	simm.s32 $0x2;
	s15 =	rddreg [dreg:$0xc]  }
0x3a: {  	[tilespmem:s16], [sflag:$0x11] =	stream.linear.gather [hbm4b:s15+s3], $0x80, $0x38;
	[tilespmem:$0x1F000] =	vst v63  }
0x3b: {  	_ =	swait.ge [sflag:s17], $0x80  }
0x3c: {  	[sflag:s17] =	ssyncset.done $0x0  }
0x3d: {  	s18 =	simm.s32 $0x16000;
	[sflag:s17] =	ssyncadd.s32 $0xFFFFFF80  }
0x3e: {  	[tilespmem:s18], [sflag:$0xA] =	stream.indirect.gather [hbm4b:s4+s10], $0x80, s8, s10, $0xb8;
	[tilespmem:$0x1F000] =	vst v63  }
0x3f: {  	s24 =	simm.s32 $0x14500;
	s23 =	rddreg [dreg:$0xd];
	s8 =	simm.s32 $0x3  }
0x40: {  	[tilespmem:s24], [sflag:$0x12] =	stream.linear.gather [hbm4b:s23+s3], $0x80, $0x38;
	[tilespmem:$0x1F000] =	vst v63  }
0x41: {  	_ =	swait.ge [sflag:s8], $0x80  }
0x42: {  	[sflag:s8] =	ssyncset.done $0x0  }
0x43: {  	s14 =	simm.s32 $0x17800;
	[sflag:s8] =	ssyncadd.s32 $0xFFFFFF80  }
0x44: {  	[tilespmem:s14], [sflag:$0xB] =	stream.indirect.gather [hbm4b:s4+s10], $0x80, s9, s10, $0xb8;
	[tilespmem:$0x1F000] =	vst v63  }
0x45: {  	s16 =	simm.s32 $0x14580;
	s17 =	simm.s32 $0x4;
	s15 =	rddreg [dreg:$0xe]  }
0x46: {  	[tilespmem:s16], [sflag:$0x13] =	stream.linear.gather [hbm4b:s15+s3], $0x80, $0x38;
	[tilespmem:$0x1F000] =	vst v63  }
0x47: {  	_ =	swait.ge [sflag:s17], $0x80  }
0x48: {  	p0 =	por $0x0, $0x0;
	s0 =	simm.s32 $0x6;
	[sflag:s17] =	ssyncset.done $0x0  }
0x49: {  	s2 =	smul.u32 @!p0 $0x25, s0;
	s18 =	simm.s32 $0x19000;
	[sflag:s17] =	ssyncadd.s32 $0xFFFFFF80  }
0x4a: {  	[tilespmem:s18], [sflag:$0xC] =	stream.indirect.gather [hbm4b:s4+s10], $0x80, s11, s10, $0xb8;
	[tilespmem:$0x1F000] =	vst v63  }
0x4b: {  	s2 =	sshrl.u32 @!p0 s2, $0x8;
	s24 =	simm.s32 $0x14600;
	s23 =	rddreg [dreg:$0xf]  }
0x4c: {  	[tilespmem:s24], [sflag:$0x14] =	stream.linear.gather [hbm4b:s23+s3], $0x80, $0x38;
	[tilespmem:$0x1F000] =	vst v63  }
0x4d: {  	s8 =	simm.s32 $0x5;
	s23 =	ssub.s32 @!p0 $0x6, s2  }
0x4e: {  	p1 =	por @!p0 $0x1, $0x1;
	_ =	swait.ge [sflag:s8], $0x80;
	s23 =	sand.u32 @!p0 $0xFE, s23  }
0x4f: {  	s30 =	simm.s32 @!p0 $0x0;
	[sflag:s8] =	ssyncset.done $0x0;
	s23 =	sshrl.u32 @!p0 s23, $0x1  }
0x50: {  	s9 =	simm.s32 $0x1A800;
	[sflag:s8] =	ssyncadd.s32 $0xFFFFFF80;
	s2 =	sadd.s32 @!p0 s2, s23  }
0x51: {  	[tilespmem:s9], [sflag:$0xD] =	stream.indirect.gather [hbm4b:s4+s10], $0x80, s12, s10, $0xb8;
	[tilespmem:$0x1F000] =	vst v63  }
0x52: {  	p2 =	por p1, p0;
	p1 =	por @!p0 $0x0, $0x0;
	s2 =	sand.u32 @!p0 $0xFC, s2  }
0x53: {  	s11 =	rddreg [dreg:$0x10];
	s12 =	simm.s32 $0x14680;
	s2 =	sshrl.u32 @!p0 s2, $0x2  }
0x54: {  	[tilespmem:s12], [sflag:$0x15] =	stream.linear.gather [hbm4b:s11+s3], $0x80, $0x38;
	[tilespmem:$0x1F000] =	vst v63  }
0x55: {  	s14 =	simm.s32 $0x6;
	s23 =	simm.s32 @!p0 $0x300;
	s2 =	smul.u32 @!p0 $0x7, s2  }
0x56: {  	s15 =	simm.s32 $0x1C000;
	s29 =	sand.u32 @!p0 $0xFC00, s23;
	_ =	swait.ge [sflag:s14], $0x80  }
0x57: {  	s23 =	sand.u32 @!p0 $0x380, s23;
	[sflag:s14] =	ssyncset.done $0x0;
	s2 =	ssub.s32 @!p0 $0x6, s2  }
0x58: {  	s29 =	sadd.s32 @!p0 s7, s29;
	[sflag:s14] =	ssyncadd.s32 $0xFFFFFF80;
	s2 =	sand.u32 @!p0 $0xFF, s2  }
0x59: {  	[tilespmem:s15], [sflag:$0xE] =	stream.indirect.gather [hbm4b:s4+s10], $0x80, s13, s10, $0xb8;
	[tilespmem:$0x1F000] =	vst v63  }
0x5a: {  	p1 =	por p1, p0;
	s23 =	sor.u32 @!p0 s23, s29;
	s29 =	sadd.s32 @!p2 $0x17, s2  }
0x5b: {  	s24 =	simm.s32 $0x380;
	s23 =	sshrl.u32 @!p0 s23, $0x3;
	_ =	swait.ge @!p2 [sflag:s29], $0x1800  }
0x5c: {  	s23 =	sadd.s32 @!p0 s6, s23;
	s31 =	sshll.u32 @!p0 s2, $0x7;
	[sflag:s29] =	ssyncset.done @!p2 $0x0  }
0x5d: {  	s31 =	sadd.s32 @!p0 $0x14400, s31;
	[sflag:s29] =	ssyncadd.s32 @!p2 $0xFFFFE800;
	s29 =	sadd.s32 @!p0 $0x10, s2  }
0x5e: {  	[tilespmem:s31], [sflag:s29] =	stream.linear.gather @!p0 [hbm4b:s23+s30], $0x80, $0x38;
	[tilespmem:$0x1F000] =	vst v63  }
0x5f: {  	s23 =	sand.u32 @!p1 $0xFC00, s24;
	s24 =	sand.u32 @!p1 $0x380, s24  }
0x60: {  	s29 =	simm.s32 $0x7;
	s31 =	simm.s32 @!p1 $0x0;
	s23 =	sadd.s32 @!p1 s7, s23  }
0x61: {  	s23 =	sor.u32 @!p1 s24, s23;
	s24 =	sand.u32 @!p1 $0x7, s29;
	s29 =	smul.u32 $0x25, s3  }
0x62: {  	s23 =	sshrl.u32 @!p1 s23, $0x3;
	s30 =	sshll.u32 @!p1 s24, $0x7;
	s24 =	sadd.s32 @!p1 $0x1, s24  }
0x63: {  	s23 =	sadd.s32 @!p1 s5, s23;
	s29 =	sshrl.u32 s29, $0x8;
	s30 =	sor.u32 @!p1 $0x14000, s30  }
0x64: {  	[tilespmem:s30], [sflag:s24] =	stream.linear.gather @!p1 [hbm4b:s23+s31], $0x80, $0x38;
	[tilespmem:$0x1F000] =	vst v63  }
0x65: {  	s0 =	sand.u32 @!p0 $0x7, s0;
	s16 =	ssub.s32 $0x0, s29  }
0x66: {  	s24 =	sshll.u32 @!p0 s0, $0x7;
	s23 =	sand.u32 $0xFE, s16  }
0x67: {  	s30 =	smul.u32 @!p0 $0x6000, s2;
	s0 =	sadd.s32 @!p0 $0x1, s0;
	s23 =	sshrl.u32 s23, $0x1  }
0x68: {  	s2 =	sadd.s32 @!p0 $0x9, s2;
	_ =	swait.ge @!p0 [sflag:s0], $0x80;
	s23 =	sadd.s32 s29, s23  }
0x69: {  	s24 =	sor.u32 @!p0 $0x14000, s24;
	[sflag:s0] =	ssyncset.done @!p0 $0x0;
	s23 =	sand.u32 $0xFC, s23  }
0x6a: {  	s29 =	sshrl.u32 @!p0 s30, $0x2;
	[sflag:s0] =	ssyncadd.s32 @!p0 $0xFFFFFF80;
	s23 =	sshrl.u32 s23, $0x2  }
0x6b: {  	s0 =	simm.s32 @!p0 $0x30;
	s29 =	sadd.s32 @!p0 $0x14800, s29;
	s23 =	smul.u32 $0x7, s23  }
0x6c: {  	[tilespmem:s29], [sflag:s2] =	stream.indirect.gather @!p0 [hbm4b:s4+s0], $0x80, s24, s0, $0xb8;
	[tilespmem:$0x1F000] =	vst v63  }
0x6d: {  	s17 =	ssub.s32 $0x0, s23  }
0x6e: {  	s24 =	sand.u32 $0xFF, s17  }
0x6f: {  	s29 =	simm.s32 $0x400;
	s18 =	smul.u32 $0x6000, s24;
	s0 =	sadd.s32 $0x9, s24  }
0x70: {  	s23 =	simm.s32 $0x1;
	s30 =	sshll.u32 s24, $0x7;
	_ =	swait.ge [sflag:s0], $0x1800  }
0x71: {  	s31 =	sadd.s32 $0x10, s24;
	s2 =	sshrl.u32 s18, $0x2;
	[sflag:s0] =	ssyncset.done $0x0  }
.LBB2_2:
0x72: {  	s8 =	sadd.s32 $0x7, s23  }
0x73: {  	[sflag:s0] =	ssyncadd.s32 $0xFFFFE800;
	s0 =	sadd.s32 $0x17, s24;
	s24 =	smov.u32 s23  }
0x74: {  	s2 =	sadd.s32 $0x14800, s2;
	s30 =	sadd.s32 $0x14400, s30;
	_ =	swait.ge [sflag:s31], $0x80  }
0x75: {  	s11 =	sadd.s32 $0x6, s23;
	p0 =	sgt.u32 s23, $0xCA;
	[sflag:s31] =	ssyncset.done $0x0  }
0x76: {  	s12 =	smul.u32 @!p0 $0x25, s11;
	s13 =	sadd.s32 @!p0 $0xFFFFFF80, s29;
	[sflag:s31] =	ssyncadd.s32 $0xFFFFFF80  }
0x77: {  	[spmem:s1] =	stream.indirect.scatter.add.f32 [tilespmem:s2], [sflag:s0], $0x80, s30, s10, $0xb8;
	[tilespmem:$0x1F000] =	vst v63  }
0x78: {  	p1 =	seq.s32 @!p0 s23, $0xCA;
	s0 =	sand.u32 @!p0 $0xFC00, s13;
	s2 =	sand.u32 @!p0 $0x380, s13  }
0x79: {  	p1 =	por p1, p0;
	s12 =	sshrl.u32 @!p0 s12, $0x8;
	s0 =	sadd.s32 @!p0 s7, s0  }
0x7a: {  	s13 =	ssub.s32 @!p0 s11, s12;
	s0 =	sor.u32 @!p0 s2, s0;
	s2 =	sand.u32 @!p1 $0xFC00, s29  }
0x7b: {  	s13 =	sand.u32 @!p0 $0xFE, s13;
	s0 =	sshrl.u32 @!p0 s0, $0x3;
	s2 =	sadd.s32 @!p1 s7, s2  }
0x7c: {  	s30 =	sand.u32 @!p1 $0x380, s29;
	s13 =	sshrl.u32 @!p0 s13, $0x1;
	s0 =	sadd.s32 @!p0 s6, s0  }
0x7d: {  	s8 =	sand.u32 @!p1 $0x7, s8;
	s12 =	sadd.s32 @!p0 s12, s13;
	s2 =	sor.u32 @!p1 s30, s2  }
0x7e: {  	s13 =	sshll.u32 @!p1 s8, $0x7;
	s8 =	sadd.s32 @!p1 $0x1, s8;
	s12 =	sand.u32 @!p0 $0xFC, s12  }
0x7f: {  	s30 =	sand.u32 @!p0 $0x7, s11;
	s12 =	sshrl.u32 @!p0 s12, $0x2;
	s2 =	sshrl.u32 @!p1 s2, $0x3  }
0x80: {  	s31 =	sshll.u32 @!p0 s30, $0x7;
	s12 =	smul.u32 @!p0 $0x7, s12;
	s2 =	sadd.s32 @!p1 s5, s2  }
0x81: {  	s14 =	smul.u32 $0x25, s24;
	s23 =	sadd.s32 $0x1, s23;
	s31 =	sor.u32 @!p0 $0x14000, s31  }
0x82: {  	p2 =	seq.s32 @!p0 s24, $0x0;
	s11 =	ssub.s32 @!p0 s11, s12;
	s12 =	simm.s32 @!p0 $0x0  }
0x83: {  	p2 =	por p2, p0;
	s14 =	sshrl.u32 s14, $0x8;
	s11 =	sand.u32 @!p0 $0xFF, s11  }
0x84: {  	s15 =	sadd.s32 @!p2 $0x17, s11;
	s16 =	sshll.u32 @!p0 s11, $0x7;
	s9 =	sadd.s32 @!p0 $0x10, s11  }
0x85: {  	s17 =	smul.u32 @!p0 $0x6000, s11;
	s16 =	sadd.s32 @!p0 $0x14400, s16;
	_ =	swait.ge @!p2 [sflag:s15], $0x1800  }
0x86: {  	s18 =	ssub.s32 s24, s14;
	s11 =	sadd.s32 @!p0 $0x9, s11;
	[sflag:s15] =	ssyncset.done @!p2 $0x0  }
0x87: {  	s18 =	sand.u32 $0xFE, s18;
	[sflag:s15] =	ssyncadd.s32 @!p2 $0xFFFFE800;
	s15 =	sshrl.u32 @!p0 s17, $0x2  }
0x88: {  	[tilespmem:s16], [sflag:s9] =	stream.linear.gather @!p0 [hbm4b:s0+s12], $0x80, $0x38;
	[tilespmem:$0x1F000] =	vst v63  }
0x89: {  	s0 =	sshrl.u32 s18, $0x1;
	s9 =	sor.u32 @!p1 $0x14000, s13;
	s12 =	sadd.s32 @!p0 $0x14800, s15  }
0x8a: {  	s13 =	simm.s32 @!p1 $0x0;
	s0 =	sadd.s32 s14, s0;
	s14 =	sadd.s32 @!p0 $0x1, s30  }
0x8b: {  	[tilespmem:s9], [sflag:s8] =	stream.linear.gather @!p1 [hbm4b:s2+s13], $0x80, $0x38;
	[tilespmem:$0x1F000] =	vst v63  }
0x8c: {  	s0 =	sand.u32 $0xFC, s0;
	p1 =	sne.s32 s23, $0xD1;
	_ =	swait.ge @!p0 [sflag:s14], $0x80  }
0x8d: {  	s0 =	sshrl.u32 s0, $0x2;
	[sflag:s14] =	ssyncset.done @!p0 $0x0  }
0x8e: {  	s2 =	simm.s32 @!p0 $0x30;
	s0 =	smul.u32 $0x7, s0;
	[sflag:s14] =	ssyncadd.s32 @!p0 $0xFFFFFF80  }
0x8f: {  	[tilespmem:s12], [sflag:s11] =	stream.indirect.gather @!p0 [hbm4b:s4+s2], $0x80, s31, s2, $0xb8;
	[tilespmem:$0x1F000] =	vst v63  }
.Ltmp0:
0x90: {  	s0 =	ssub.s32 s24, s0;
	(pc) =	sbr.rel @p1 .LBB2_2-.Ltmp0, $4  }
0x91: {  	s24 =	sand.u32 $0xFF, s0  }
0x92: {  	s2 =	smul.u32 $0x6000, s24;
	s0 =	sadd.s32 $0x9, s24;
	s30 =	sshll.u32 s24, $0x7  }
0x93: {  	s29 =	sadd.s32 $0x80, s29;
	_ =	swait.ge [sflag:s0], $0x1800  }
0x94: {  	s31 =	sadd.s32 $0x10, s24;
	s2 =	sshrl.u32 s2, $0x2;
	[sflag:s0] =	ssyncset.done $0x0  }
0x95: {  	[sflag:s0] =	ssyncadd.s32 $0xFFFFE800  }
0x96: {  	_ =	swait.ge [sflag:s31], $0x80  }
0x97: {  	s17 =	sadd.s32 $0x17, s24;
	s2 =	sadd.s32 $0x14800, s2;
	[sflag:s31] =	ssyncset.done $0x0  }
0x98: {  	s8 =	sadd.s32 $0x14400, s30;
	s18 =	simm.s32 $0x1D;
	[sflag:s31] =	ssyncadd.s32 $0xFFFFFF80  }
0x99: {  	[spmem:s1] =	stream.indirect.scatter.add.f32 [tilespmem:s2], [sflag:s17], $0x80, s8, s10, $0xb8;
	[tilespmem:$0x1F000] =	vst v63  }
0x9a: {  	_ =	swait.ge [sflag:s18], $0x1800  }
0x9b: {  	[sflag:s18] =	ssyncset.done $0x0  }
0x9c: {  	s23 =	simm.s32 $0x17;
	[sflag:s18] =	ssyncadd.s32 $0xFFFFE800  }
0x9d: {  	_ =	swait.ge [sflag:s23], $0x1800  }
0x9e: {  	[sflag:s23] =	ssyncset.done $0x0  }
0x9f: {  	s24 =	simm.s32 $0x18;
	[sflag:s23] =	ssyncadd.s32 $0xFFFFE800  }
0xa0: {  	_ =	swait.ge [sflag:s24], $0x1800  }
0xa1: {  	[sflag:s24] =	ssyncset.done $0x0  }
0xa2: {  	s29 =	simm.s32 $0x19;
	[sflag:s24] =	ssyncadd.s32 $0xFFFFE800  }
0xa3: {  	_ =	swait.ge [sflag:s29], $0x1800  }
0xa4: {  	[sflag:s29] =	ssyncset.done $0x0  }
0xa5: {  	[sflag:s29] =	ssyncadd.s32 $0xFFFFE800  }
0xa6: {  	_ =	swait.ge [sflag:s19], $0x1800  }
0xa7: {  	[sflag:s19] =	ssyncset.done $0x0  }
0xa8: {  	[sflag:s19] =	ssyncadd.s32 $0xFFFFE800  }
0xa9: {  	_ =	swait.ge [sflag:s20], $0x1800  }
0xaa: {  	[sflag:s20] =	ssyncset.done $0x0  }
0xab: {  	[sflag:s20] =	ssyncadd.s32 $0xFFFFE800  }
0xac: {  	_ =	swait.ge [sflag:s21], $0x1800  }
0xad: {  	[sflag:s21] =	ssyncset.done $0x0  }
0xae: {  	[sflag:s21] =	ssyncadd.s32 $0xFFFFE800  }
0xaf: {  	[bflag:$0x0] =	sbarrier.arrive $0xFFFF  }
0xb0: {  	s30 =	rddreg [dreg:$0x11]  }
0xb1: {  	[hbm:s30], [sflag:s25] =	dma.local [spmem:s28], $0x2800  }
0xb2: {  	_ =	swait.ge [sflag:s26], $0x2800  }
0xb3: {  	s22 =	sadd.s32 $0x1, s22;
	s31 =	rddreg [dreg:$0x12]  }
0xb4: {  	p0 =	sne.s32 s22, s31  }
.Ltmp1:
0xb5: {  	_ = 	snop;
	(pc) =	sbr.rel @p0 .LBB2_1-.Ltmp1, $3  }
0xb6: {  	_ =	sdelay $0x1  }
0xb7: {  	[sflag:s26] =	ssyncset.done $0x0  }
0xb8: {  	[sflag:s26] =	ssyncadd.s32 $0xFFFFD800  }
0xb9: {  	_ =	sfence.sel $0x180000  }
0xba: {  	[bflag:$0x0] =	sbarrier.arrive $0xFFFF  }
0xbb: {  	_ =	strace $0x9000004A  }
0xbc: {  	s0 =	stileid.u32;
	[bflag:$0x2] =	sbarrier.arrive $0xFFFF  }
0xbd: {  	p0 =	sne.s32 s0, $0x0;
	s0 =	rddreg [dreg:$0x2]  }
0xbe: {  	s0 =	sadd.s32 @!p0 $0x100000, s0  }
0xbf: {  	[sflag:s0] =	ssyncadd.tile.s32 @!p0 $0x1;
	_ =	shalt  }
.Lfunc_end2:
_tile_overlayer_lowered:
.L_overlay_start_2:
0xc0: {  	(tag) =	ssettag $0x2  }
0xc1: {  	s0 =	rddreg [dreg:$0x0];
	s2 =	stileid.u32  }
0xc2: {  	s1 =	rddreg [dreg:$0x1];
	p0 =	sne.s32 s2, $0x0  }
0xc3: {  	s3 =	rddreg [dreg:$0x2];
	[bflag:$0x3] =	sbarrier.arrive $0xFFFF;
	s2 =	simm.s32 @!p0 $0x1C1E  }
0xc4: {  	[timem:s3], [sflag:s2] =	dma.local @!p0 [hbm:s0], s1  }
0xc5: {  	s0 =	simm.s32 @!p0 $0x1E  }
0xc6: {  	_ =	swait.ge @!p0 [sflag:s0], s1  }
0xc7: {  	s1 =	ssub.s32 @!p0 $0x0, s1;
	[sflag:s0] =	ssyncset.done @!p0 $0x0  }
0xc8: {  	[sflag:s0] =	ssyncadd.s32 @!p0 s1  }
0xc9: {  	[bflag:$0x3] =	sbarrier.arrive $0xFFFF  }
0xca: {  	_ =	shalt  }

// kernel: kernel.6.cloned.1.call-start
scs
__scs_entry_jumppad:
0x0: {  	(pc) =	sbr.rel $0x88, $3  }
0x1: {  	(tag) =	ssettag $0x0;
	lr =	simm.s32 $0x1  }
0x2: {  	[smem:$0x3F97] =	sst lr;
	_ =	strace $0xD0000000  }
0x3: {  	_ = 	snop  }
0x4: {  	_ = 	snop  }
0x5: {  	_ = 	snop  }
0x6: {  	_ = 	snop  }
0x7: {  	_ = 	snop  }
__scs_overlays_trampoline_lowered:
0x8: {  	[smem:$0x3FA6] =	sst s0  }
0x9: {  	[smem:$0x3FA7] =	sst s1  }
0xa: {  	[smem:$0x3FA8] =	sst s2  }
0xb: {  	[smem:$0x3FA9] =	sst s3  }
0xc: {  	[smem:$0x3FAA] =	sst s4  }
0xd: {  	[smem:$0x3FAB] =	sst s5  }
0xe: {  	[smem:$0x3FAC] =	sst s6  }
0xf: {  	[smem:$0x3FAD] =	sst s7  }
0x10: {  	[smem:$0x3FAE] =	sst s8  }
0x11: {  	[smem:$0x3FAF] =	sst s9;
	s0 =	simm.s32 @!p0 $0x0  }
0x12: {  	s1 =	sld [smem:$0x3F95];
	s0 =	simm.s32 @p0 $0x1  }
0x13: {  	[smem:$0x3FB0] =	sst s0;
	s0 =	simm.s32 @!p1 $0x0  }
0x14: {  	s2 =	sld [smem:$0x3F94];
	s0 =	simm.s32 @p1 $0x1  }
0x15: {  	[smem:$0x3FB1] =	sst s0;
	s0 =	simm.s32 @!p2 $0x0  }
0x16: {  	s3 =	sld [smem:$0x3FDB];
	s0 =	simm.s32 @p2 $0x1  }
0x17: {  	s4 =	simm.s32 $0x1BF5;
	[smem:$0x3FB3] =	sst s0  }
0x18: {  	s0 =	sld [smem:$0x3F96];
	_ =	swait.ge [sflag:s4], $0x0  }
0x19: {  	s7 =	sld [smem:$0x3F97]  }
0x1a: {  	s8 =	sadd.s32 $0xFFFFE003, lr  }
0x1b: {  	s9 =	sadd.s32 $0xFFFFFEF7, lr;
	s5 =	simm.s32 $0xFFFFFFFF;
	p2 =	slt.u32 s8, $0xFFFFF086  }
0x1c: {  	p1 =	slt.u32 s9, $0xF7A;
	s5 =	simm.s32 @!p2 $0x0  }
0x1d: {  	s5 =	simm.s32 @p1 $0x1;
	p0 =	seq.s32 s7, s2  }
0x1e: {  	s7 =	smul.u32 @!p0 $0xF7A, s2;
	p2 =	seq.s32 @!p0 s5, $0x0  }
0x1f: {  	s9 =	smul.u32 $0xF7A, s1;
	s8 =	simm.s32 @!p0 $0x1BF5;
	p2 =	por !p2, p0  }
0x20: {  	[sflag:s8] =	ssyncset.s32 @!p0 $0xFFFFF086;
	s6 =	sadd.s32 @!p0 s3, s7;
	s7 =	simm.s32 @!p0 $0x108  }
0x21: {  	s3 =	sadd.s32 s3, s9;
	s6 =	sadd.s32 @!p0 $0x88, s6;
	s7 =	simm.s32 @p2 $0x1082  }
0x22: {  	[simem:s7], [sflag:s8] =	dma.local @!p0 [hbm:s6], $0xF7A  }
0x23: {  	s9 =	sor.u32 $0xD0000000, s2;
	s6 =	simm.s32 $0x108;
	_ =	swait.ge @!p0 [sflag:s8], $0x0  }
0x24: {  	s3 =	sadd.s32 $0x88, s3;
	s6 =	simm.s32 @!p1 $0x1082;
	[sflag:s4] =	ssyncset.s32 $0xFFFFF086  }
0x25: {  	[simem:s6], [sflag:s4] =	dma.local [hbm:s3], $0xF7A  }
0x26: {  	[smem:$0x3F97] =	sst s1;
	(tag) =	ssettag s2;
	_ =	strace s9  }
0x27: {  	s1 =	sld [smem:$0x3FA7]  }
0x28: {  	s2 =	sld [smem:$0x3FA8]  }
0x29: {  	s4 =	sld [smem:$0x3FAA]  }
0x2a: {  	p0 =	seq.s32 s5, $0x0;
	s5 =	sld [smem:$0x3FAB]  }
0x2b: {  	s6 =	sld [smem:$0x3FAC]  }
0x2c: {  	s7 =	sld [smem:$0x3FAD]  }
0x2d: {  	s3 =	simm.s32 $0x108;
	s8 =	sld [smem:$0x3FAE]  }
0x2e: {  	s3 =	simm.s32 @!p0 $0x1082;
	s9 =	sld [smem:$0x3FAF]  }
0x2f: {  	lr =	sadd.s32 s0, s3;
	s0 =	sld [smem:$0x3FA6]  }
0x30: {  	s3 =	sld [smem:$0x3FA9]  }
0x31: {  	[smem:$0x3FB2] =	sst s10  }
0x32: {  	s10 =	sld [smem:$0x3FB0];
	_ =	sdelay $0x3  }
0x33: {  	p0 =	seq.s32 s10, $0x1;
	s10 =	sld [smem:$0x3FB2];
	_ =	sdelay $0x3  }
0x34: {  	[smem:$0x3FB2] =	sst s10  }
0x35: {  	s10 =	sld [smem:$0x3FB1];
	_ =	sdelay $0x3  }
0x36: {  	p1 =	seq.s32 s10, $0x1;
	s10 =	sld [smem:$0x3FB2];
	_ =	sdelay $0x3  }
0x37: {  	[smem:$0x3FB2] =	sst s10  }
0x38: {  	s10 =	sld [smem:$0x3FB3]  }
0x39: {  	_ = 	snop;
	(pc) =	sbr.ind lr, $3  }
0x3a: {  	_ = 	snop  }
0x3b: {  	_ = 	snop  }
0x3c: {  	p2 =	seq.s32 s10, $0x1;
	s10 =	sld [smem:$0x3FB2]  }
0x3d: {  	_ =	shalt  }
0x3e: {  	_ =	shalt  }
0x3f: {  	_ =	shalt  }
0x40: {  	_ =	shalt  }
0x41: {  	_ =	shalt  }
0x42: {  	_ =	shalt  }
0x43: {  	_ =	shalt  }
0x44: {  	_ =	shalt  }
0x45: {  	_ =	shalt  }
0x46: {  	_ =	shalt  }
0x47: {  	_ =	shalt  }
0x48: {  	_ =	shalt  }
0x49: {  	_ =	shalt  }
0x4a: {  	_ =	shalt  }
0x4b: {  	_ =	shalt  }
0x4c: {  	_ =	shalt  }
0x4d: {  	_ =	shalt  }
0x4e: {  	_ =	shalt  }
0x4f: {  	_ =	shalt  }
0x50: {  	_ =	shalt  }
0x51: {  	_ =	shalt  }
0x52: {  	_ =	shalt  }
0x53: {  	_ =	shalt  }
0x54: {  	_ =	shalt  }
0x55: {  	_ =	shalt  }
0x56: {  	_ =	shalt  }
0x57: {  	_ =	shalt  }
0x58: {  	_ =	shalt  }
0x59: {  	_ =	shalt  }
0x5a: {  	_ =	shalt  }
0x5b: {  	_ =	shalt  }
0x5c: {  	_ =	shalt  }
0x5d: {  	_ =	shalt  }
0x5e: {  	_ =	shalt  }
0x5f: {  	_ =	shalt  }
0x60: {  	_ =	shalt  }
0x61: {  	_ =	shalt  }
0x62: {  	_ =	shalt  }
0x63: {  	_ =	shalt  }
0x64: {  	_ =	shalt  }
0x65: {  	_ =	shalt  }
0x66: {  	_ =	shalt  }
0x67: {  	_ =	shalt  }
0x68: {  	_ =	shalt  }
0x69: {  	_ =	shalt  }
0x6a: {  	_ =	shalt  }
0x6b: {  	_ =	shalt  }
0x6c: {  	_ =	shalt  }
0x6d: {  	_ =	shalt  }
0x6e: {  	_ =	shalt  }
0x6f: {  	_ =	shalt  }
0x70: {  	_ =	shalt  }
0x71: {  	_ =	shalt  }
0x72: {  	_ =	shalt  }
0x73: {  	_ =	shalt  }
0x74: {  	_ =	shalt  }
0x75: {  	_ =	shalt  }
0x76: {  	_ =	shalt  }
0x77: {  	_ =	shalt  }
0x78: {  	_ =	shalt  }
0x79: {  	_ =	shalt  }
0x7a: {  	_ =	shalt  }
0x7b: {  	_ =	shalt  }
0x7c: {  	_ =	shalt  }
0x7d: {  	_ =	shalt  }
0x7e: {  	_ =	shalt  }
0x7f: {  	_ =	shalt  }
0x80: {  	_ =	shalt  }
0x81: {  	_ =	shalt  }
0x82: {  	_ =	shalt  }
0x83: {  	_ =	shalt  }
0x84: {  	_ =	shalt  }
0x85: {  	_ =	shalt  }
0x86: {  	_ =	shalt  }
0x87: {  	_ =	shalt  }
.Lfunc_end0:
.L_simem_size_0:
called_computation.1_lowered:
.L_overlay_start_0:
0x88: {  	s2 =	sld [smem:$0x3FD9]  }
0x89: {  	s3 =	sld [smem:$0x3FFE];
	_ =	sdelay $0x1  }
0x8a: {  	s1 =	srdreg.scid  }
0x8b: {  	s0 =	sand.u32 $0x1, s1  }
0x8c: {  	s17 =	sshll.u32 s0, $0xA;
	s2 =	sadd.s32 s3, s2  }
0x8d: {  	s2 =	sadd.s32 s2, s17  }
0x8e: {  	[smem:$0x3FBE] =	sst s2  }
0x8f: {  	_ = 	snop  }
0x90: {  	s2 =	sld [smem:$0x3FD0];
	(tm) =	ssettm $0x1  }
0x91: {  	s18 =	sld [smem:$0x3FFB];
	_ =	sdelay $0x3  }
0x92: {  	_ =	strace s18  }
0x93: {  	s3 =	sld [smem:$0x3FFC];
	_ =	sdelay $0x3  }
0x94: {  	_ =	strace s3  }
0x95: {  	s3 =	sld [smem:$0x3FFD];
	_ =	sdelay $0x3  }
0x96: {  	_ =	strace s3  }
0x97: {  	_ =	strace $0x8FFFFFFF  }
0x98: {  	s19 =	sld [smem:$0x3FDB];
	_ =	sdelay $0x1  }
0x99: {  	s4 =	simm.s32 $_scs_section_size  }
0x9a: {  	s5 =	simm.s32 $_size__tile_overlayer_lowered;
	s6 =	simm.s32 $_tile_overlayer_lowered  }
0x9b: {  	s22 =	simm.s32 $0x1BFF;
	s21 =	sshll.u32 s6, $0x1;
	s3 =	sadd.s32 s4, s19  }
0x9c: {  	s7 =	simm.s32 $0x0;
	s20 =	sshll.u32 s5, $0x1;
	s5 =	sadd.s32 s21, s3  }
0x9d: {  	[timem:s7], [sflag:s22] =	dma.local [hbm:s5], s20  }
0x9e: {  	_ =	swait.ge [sflag:s22], s20  }
0x9f: {  	s4 =	ssub.s32 $0x0, s20;
	[sflag:s22] =	ssyncset.done $0x0  }
0xa0: {  	[sflag:s22] =	ssyncadd.s32 s4;
	_ =	sdelay $0x1  }
0xa1: {  	s23 =	simm.s32 $0x1B8B  }
0xa2: {  	_ =	swait.ge [sflag:s23], $0x1  }
0xa3: {  	[sflag:s23] =	ssyncset.done $0x0  }
0xa4: {  	s25 =	simm.s32 $0x1B8E;
	s24 =	sld [smem:$0x3FFE];
	[sflag:s23] =	ssyncadd.s32 $0xFFFFFFFF  }
0xa5: {  	s26 =	simm.s32 $execute0_lowered;
	[smem:$0x3FD2] =	sst s25  }
0xa6: {  	s5 =	sshll.u32 s26, $0x1;
	_ =	strace $0x80000046;
	[dreg:$0x1] =	wrdreg $0xFFFFFFFF  }
0xa7: {  	s28 =	simm.s32 $_size_execute0_lowered;
	s3 =	sadd.s32 s3, s5;
	[dreg:$0x0] =	wrdreg $0x0  }
0xa8: {  	s5 =	sshll.u32 s28, $0x1;
	[dreg:$0x2] =	wrdreg s3  }
0xa9: {  	[dreg:$0x3] =	wrdreg s5  }
0xaa: {  	[dreg:$0x4] =	wrdreg $0xC0  }
0xab: {  	_ =	task [dreg:s7], $0x5FFFF  }
0xac: {  	[dreg:$0x1] =	wrdreg $0xFFFFFFFF  }
0xad: {  	[dreg:$0x0] =	wrdreg $0x60  }
0xae: {  	[dreg:$0x2] =	wrdreg s2  }
0xaf: {  	[dreg:$0x3] =	wrdreg s24  }
0xb0: {  	[dreg:$0x4] =	wrdreg $0x0  }
0xb1: {  	[dreg:$0x5] =	wrdreg $0x9  }
0xb2: {  	_ =	task.clear_ibuf [dreg:s7], $0x6FFFF;
	_ =	strace $0x90000046  }
0xb3: {  	s29 =	simm.s32 $0x9;
	_ =	strace $0x80000048  }
0xb4: {  	_ =	swait.ge [sflag:s29], $0x1  }
0xb5: {  	[sflag:s29] =	ssyncadd.s32 $0xFFFFFFFF  }
0xb6: {  	_ =	strace $0x90000048  }
0xb7: {  	_ =	sfence  }
0xb8: {  	s30 =	sld [smem:$0x0];
	_ =	sdelay $0x2  }
0xb9: {  	s31 =	sshll.u32 s1, $0xD;
	s1 =	sshrl.u32 s1, $0x2  }
0xba: {  	s3 =	sand.u32 $0x4000, s31;
	s1 =	sadd.s32 s1, s30  }
0xbb: {  	s0 =	sor.u32 s3, s0;
	s1 =	sshll.u32 s1, $0x11  }
0xbc: {  	s0 =	sor.u32 s1, s0  }
0xbd: {  	s0 =	sadd.s32 $0x8F2B, s0  }
0xbe: {  	[sflag:s0] =	ssyncadd.remote.s32 $0x1  }
0xbf: {  	_ =	sfence.sel $0xFFFF  }
0xc0: {  	[dreg:$0x0] =	wrdreg $0xFFFFFFFF;
	(pc) =	sbr.abs _section_cstart, $3  }
0xc1: {  	[dreg:$0x1] =	wrdreg $0xFFFFFFFF  }
0xc2: {  	_ =	task.clear_ibuf [dreg:s7], $0x2FFFF;
	_ =	strace $0x9FFFFFFF  }
0xc3: {  	(tm) =	ssettm $0x7FFFFFFF  }
tec
execute0_lowered:
.L_overlay_start_1:
0x0: {  	(tag) =	ssettag $0x1  }
0x1: {  	s1 =	rddreg [dreg:$0x0]  }
0x2: {  	s7 =	rddreg [dreg:$0x1]  }
0x3: {  	s3 =	rddreg [dreg:$0x2]  }
0x4: {  	s0 =	rddreg [dreg:$0x3];
	s4 =	simm.s32 $0x0;
	s2 =	stileid.u32  }
0x5: {  	s6 =	srdreg.scid;
	s13 =	simm.s32 $0x5;
	s14 =	simm.s32 $0x380  }
0x6: {  	s15 =	simm.s32 $0x280;
	s16 =	simm.s32 $0x80;
	s17 =	simm.s32 $0x4  }
0x7: {  	s18 =	simm.s32 $0x3;
	s19 =	simm.s32 $0x1;
	s20 =	simm.s32 $0x20  }
0x8: {  	s21 =	simm.s32 $0x10;
	s22 =	simm.s32 $0x0;
	[smem:$0x7FF] =	sst s4  }
0x9: {  	s8 =	smul.u32 $0x280, s2;
	s5 =	sadd.s32 $0x3600, s7;
	s6 =	sand.u32 $0x1, s6  }
0xa: {  	s10 =	smul.u32 $0x500, s2;
	s30 =	sshll.u32 s2, $0x6;
	_ =	strace $0x80000047  }
0xb: {  	s11 =	sshll.u32 s6, $0x7;
	s12 =	sshll.u32 s6, $0x4;
	s25 =	ssub.s32 $0x2, s6  }
0xc: {  	s9 =	sshrl.u32 s8, $0x3;
	s10 =	sor.u32 s11, s10;
	s26 =	sor.u32 s2, s12  }
.Ltmp0:
0xd: {  	s28 =	sshrl.u32 s25, $0x1;
	s29 =	sadd.s32 s8, s3;
	(pc) =	sbr.rel .LBB2_1-.Ltmp0, $4  }
0xe: {  	s8 =	sor.u32 $0x1C05, s30;
	s9 =	sadd.s32 s9, s7;
	s6 =	smul.u32 $0x2800, s26  }
0xf: {  	s10 =	sshrl.u32 s10, $0x3;
	s11 =	ssub.s32 s25, s28;
	s12 =	sshrl.u32 s29, $0x3  }
0x10: {  	s10 =	sadd.s32 s10, s7;
	s7 =	sadd.s32 $0x3000, s9;
	s31 =	sshrl.u32 s6, $0x3  }
0x11: {  	s11 =	smax.u32 s11, $0x1;
	s10 =	sadd.s32 $0x3800, s10;
	s9 =	sadd.s32 s1, s31  }
.LBB2_7:
0x12: {  	_ =	swait.ge [sflag:s17], $0x80  }
0x13: {  	[sflag:s17] =	ssyncset.done $0x0  }
0x14: {  	[sflag:s17] =	ssyncadd.s32 $0xFFFFFF80  }
0x15: {  	_ =	swait.ge [sflag:s18], $0x80  }
0x16: {  	s22 =	sadd.s32 $0x1, s22;
	[sflag:s18] =	ssyncset.done $0x0  }
0x17: {  	p0 =	sne.s32 s22, s11;
	[sflag:s18] =	ssyncadd.s32 $0xFFFFFF80  }
.Ltmp1:
0x18: {  	[bflag:$0x0] =	sbarrier.arrive $0xFFFF;
	(pc) =	sbr.rel @!p0 .LBB2_8-.Ltmp1, $4  }
0x19: {  	[hbm:s10@s20], [sflag:s8] =	dma.strided [spmem:s12@s21], $0x50, s19, $0x10   }
0x1a: {  	_ =	swait.ge [sflag:s13], $0x50  }
0x1b: {  	[sflag:s13] =	ssyncset.done $0x0  }
0x1c: {  	[sflag:s13] =	ssyncadd.s32 $0xFFFFFFB0  }
.LBB2_1:
0x1d: {  	[spmem:s12], [sflag:s8] =	dma.local [hbm:s7], $0x50  }
0x1e: {  	_ =	swait.ge [sflag:s13], $0x50  }
0x1f: {  	[sflag:s13] =	ssyncset.done $0x0  }
0x20: {  	[sflag:s13] =	ssyncadd.s32 $0xFFFFFFB0  }
0x21: {  	[tilespmem:s14], [sflag:$0x5] =	stream.linear.gather [hbm4b:s5+s4], $0x80, $0x38;
	[tilespmem:$0x400] =	vst v63  }
.Ltmp2:
0x22: {  	_ =	swait.ge [sflag:s13], $0x80;
	(pc) =	sbr.rel .LBB2_2-.Ltmp2, $4  }
0x23: {  	[sflag:s13] =	ssyncset.done $0x0  }
0x24: {  	[sflag:s13] =	ssyncadd.s32 $0xFFFFFF80  }
0x25: {  	s23 =	simm.s32 $0x1;
	s24 =	simm.s32 $0x80;
	[bflag:$0x0] =	sbarrier.arrive $0xFFFF  }
0x26: {  	[tilespmem:s15], [sflag:$0x1] =	stream.linear.gather [hbm4b:s9+s4], $0x80, $0x38;
	[tilespmem:$0x400] =	vst v63  }
.LBB2_5:
0x27: {  	s28 =	sand.u32 $0x7C00, s24  }
0x28: {  	s29 =	sand.u32 $0x380, s24;
	s28 =	sadd.s32 s6, s28  }
0x29: {  	s28 =	sor.u32 s29, s28  }
0x2a: {  	s30 =	sshll.u32 s26, $0x7;
	s28 =	sshrl.u32 s28, $0x3  }
0x2b: {  	s31 =	sadd.s32 $0x1, s26;
	s29 =	sadd.s32 $0x280, s30;
	s28 =	sadd.s32 s1, s28  }
0x2c: {  	[tilespmem:s29], [sflag:s31] =	stream.linear.gather [hbm4b:s28+s4], $0x80, $0x38;
	[tilespmem:$0x400] =	vst v63  }
.LBB2_6:
0x2d: {  	s24 =	sadd.s32 $0x80, s24  }
0x2e: {  	s25 =	sand.u32 $0x1, s25;
	p0 =	sne.s32 s24, $0x2800  }
.Ltmp3:
0x2f: {  	s26 =	sadd.s32 $0x1, s25;
	(pc) =	sbr.rel @!p0 .LBB2_7-.Ltmp3, $4  }
0x30: {  	_ =	swait.ge [sflag:s26], $0x80  }
0x31: {  	s23 =	sadd.s32 $0x1, s23;
	s28 =	sshll.u32 s25, $0x7;
	[sflag:s26] =	ssyncset.done $0x0  }
0x32: {  	s25 =	sadd.s32 $0x3, s25;
	s28 =	sadd.s32 $0x280, s28;
	[sflag:s26] =	ssyncadd.s32 $0xFFFFFF80  }
0x33: {  	[spmem:s3] =	stream.indirect.scatter.add.f32 [tilespmem:s14], [sflag:s25], $0x1, s28, s16, $0xb8;
	[tilespmem:$0x400] =	vst v63  }
.LBB2_2:
0x34: {  	s25 =	sadd.s32 $0xFFFFFFFF, s23  }
0x35: {  	p0 =	seq.s32 s25, $0x0  }
.Ltmp4:
0x36: {  	_ = 	snop;
	(pc) =	sbr.rel @p0 .LBB2_5-.Ltmp4, $2  }
0x37: {  	_ =	sdelay $0x2  }
0x38: {  	s26 =	sand.u32 $0x1, s23  }
0x39: {  	p0 =	seq.s32 s25, $0x4E  }
.Ltmp5:
0x3a: {  	_ = 	snop;
	(pc) =	sbr.rel @p0 .LBB2_6-.Ltmp5, $1  }
0x3b: {  	_ =	sdelay $0x3  }
.Ltmp6:
0x3c: {  	(pc) =	sbr.rel .LBB2_5-.Ltmp6, $4  }
0x3d: {  	s28 =	sadd.s32 $0x3, s26  }
0x3e: {  	_ =	swait.ge [sflag:s28], $0x80  }
0x3f: {  	[sflag:s28] =	ssyncset.done $0x0  }
0x40: {  	[sflag:s28] =	ssyncadd.s32 $0xFFFFFF80  }
.LBB2_8:
0x41: {  	_ =	sfence.sel $0x180000  }
0x42: {  	[bflag:$0x0] =	sbarrier.arrive $0xFFFF  }
0x43: {  	p0 =	sne.s32 s2, $0x0;
	_ =	strace $0x90000047  }
0x44: {  	s0 =	sadd.s32 @!p0 $0x100000, s0;
	[bflag:$0x2] =	sbarrier.arrive $0xFFFF  }
0x45: {  	[sflag:s0] =	ssyncadd.tile.s32 @!p0 $0x1;
	_ =	shalt  }
.Lfunc_end2:
_tile_overlayer_lowered:
.L_overlay_start_2:
0x46: {  	(tag) =	ssettag $0x2  }
0x47: {  	s0 =	rddreg [dreg:$0x0];
	s2 =	stileid.u32  }
0x48: {  	s1 =	rddreg [dreg:$0x1];
	p0 =	sne.s32 s2, $0x0  }
0x49: {  	s3 =	rddreg [dreg:$0x2];
	[bflag:$0x3] =	sbarrier.arrive $0xFFFF;
	s2 =	simm.s32 @!p0 $0x1C05  }
0x4a: {  	[timem:s3], [sflag:s2] =	dma.local @!p0 [hbm:s0], s1  }
0x4b: {  	s0 =	simm.s32 @!p0 $0x5  }
0x4c: {  	_ =	swait.ge @!p0 [sflag:s0], s1  }
0x4d: {  	s1 =	ssub.s32 @!p0 $0x0, s1;
	[sflag:s0] =	ssyncset.done @!p0 $0x0  }
0x4e: {  	[sflag:s0] =	ssyncadd.s32 @!p0 s1  }
0x4f: {  	[bflag:$0x3] =	sbarrier.arrive $0xFFFF  }
0x50: {  	_ =	shalt  }

</sc_bundles>
